<compile_context>
chip_gen: v7x
topology: tpu7x:2x2x1
jax: 0.10.2.dev20260603
libtpu: 0.0.44.dev20260713+nightly
codegen_flags: <defaults>
</compile_context>

<pallas_src>
import functools

import jax
import jax.numpy as jnp
from jax import lax
from jax.experimental import pallas as pl
from jax.experimental.pallas import tpu as pltpu
from jax.experimental.pallas import tpu_sc as plsc

N = 10000
E = 320000
D = 128

NC = 2
NS = 16
NW = NC * NS
EW = E // NW
CHUNK = 100
NCHUNK = EW // CHUNK
NP = 10240
NPR = 10112
ROWS_W = NPR // NS
DEGS_W = NP // NS
NG = 4
CPG = NCHUNK // NG
LAST_W = N - (NS - 1) * (NPR // NS)

@functools.cache
def _deg_sc_build():
    return pl.kernel(
        _deg_sc_body,
        out_type=jax.ShapeDtypeStruct((NC * NP,), jnp.float32),
        mesh=plsc.VectorSubcoreMesh(core_axis_name="c", subcore_axis_name="s"),
        scratch_types=[
            pltpu.VMEM((CPG, CHUNK), jnp.int32),
            pltpu.VMEM((CHUNK,), jnp.float32),
            pltpu.VMEM_SHARED((NP,), jnp.float32),
            pltpu.SemaphoreType.DMA,
        ],
    )


def _deg_sc(dst3, zeros_np, ones_c):
    return _deg_sc_build()(dst3, zeros_np, ones_c)


def _deg_sc_body(dst_hbm, zeros_hbm, ones_hbm, out_hbm, idx_v, ones_v,
                 deg_sh, ssem):
    cid = lax.axis_index("c")
    sid = lax.axis_index("s")
    w = cid * NS + sid

    pltpu.sync_copy(zeros_hbm.at[pl.ds(sid * DEGS_W, DEGS_W)],
                    deg_sh.at[pl.ds(sid * DEGS_W, DEGS_W)])
    pltpu.sync_copy(ones_hbm, ones_v)
    plsc.subcore_barrier()

    def group(g, carry):
        pltpu.sync_copy(dst_hbm.at[w, g], idx_v)

        def body(j, c2):
            pltpu.async_copy(ones_v, deg_sh.at[idx_v.at[j]], ssem, add=True)
            return c2

        lax.fori_loop(0, CPG, body, 0)

        def drain(j, c2):
            pltpu.make_async_copy(ones_v, deg_sh.at[idx_v.at[0]], ssem).wait()
            return c2

        lax.fori_loop(0, CPG, drain, 0)
        return carry

    lax.fori_loop(0, NG, group, 0)
    plsc.subcore_barrier()

    pltpu.sync_copy(deg_sh.at[pl.ds(sid * DEGS_W, DEGS_W)],
                    out_hbm.at[pl.ds(cid * NP + sid * DEGS_W, DEGS_W)])


@functools.cache
def _scatter_sc_build():
    return pl.kernel(
        _scatter_sc_body,
        out_type=jax.ShapeDtypeStruct((NC, N, D), jnp.float32),
        mesh=plsc.VectorSubcoreMesh(core_axis_name="c", subcore_axis_name="s"),
        scratch_types=[
            pltpu.VMEM((CPG, CHUNK), jnp.int32),
            pltpu.VMEM((CPG, CHUNK), jnp.int32),
            pltpu.VMEM((CHUNK, D), jnp.float32),
            pltpu.VMEM((CHUNK, D), jnp.float32),
            pltpu.VMEM((CHUNK, D), jnp.float32),
            pltpu.VMEM_SHARED((NPR, D), jnp.float32),
            pltpu.SemaphoreType.DMA,
            pltpu.SemaphoreType.DMA,
            pltpu.SemaphoreType.DMA,
            pltpu.SemaphoreType.DMA,
            pltpu.SemaphoreType.DMA,
            pltpu.SemaphoreType.DMA,
        ],
    )


def _scatter_sc(src3, dst3, y, zeros_nd):
    return _scatter_sc_build()(src3, dst3, y, zeros_nd)


def _scatter_sc_body(src_hbm, dst_hbm, y_hbm, zeros_hbm, out_hbm,
                     src_v, dst_v, rows0, rows1, rows2, acc_sh,
                     gsem0, gsem1, gsem2, ssem0, ssem1, ssem2):
    cid = lax.axis_index("c")
    sid = lax.axis_index("s")
    w = cid * NS + sid
    rows = (rows0, rows1, rows2)
    gsem = (gsem0, gsem1, gsem2)
    ssem = (ssem0, ssem1, ssem2)

    @pl.when(sid < NS - 1)
    def _():
        pltpu.sync_copy(zeros_hbm, acc_sh.at[pl.ds(sid * ROWS_W, ROWS_W)])

    @pl.when(sid == NS - 1)
    def _():
        pltpu.sync_copy(zeros_hbm.at[pl.ds(0, LAST_W)],
                        acc_sh.at[pl.ds((NS - 1) * ROWS_W, LAST_W)])

    plsc.subcore_barrier()

    def gather(j, b):
        return pltpu.async_copy(y_hbm.at[src_v.at[j]], rows[b], gsem[b])

    def scatter(j, b):
        return pltpu.async_copy(rows[b], acc_sh.at[dst_v.at[j]], ssem[b],
                                add=True)

    def wait_g(b):
        pltpu.make_async_copy(y_hbm.at[src_v.at[0]], rows[b], gsem[b]).wait()

    def wait_s(b):
        pltpu.make_async_copy(rows[b], acc_sh.at[dst_v.at[0]], ssem[b]).wait()

    def group(g, carry):
        pltpu.sync_copy(src_hbm.at[w, g], src_v)
        pltpu.sync_copy(dst_hbm.at[w, g], dst_v)
        gather(0, 0)
        gather(1, 1)
        wait_g(0); scatter(0, 0); gather(2, 2)

        def body(i, c2):
            for p in range(3):
                j = 3 * i + p + 1
                b = (p + 1) % 3
                bn = p
                wait_g(b)
                scatter(j, b)
                wait_s(bn)
                gather(j + 2, bn)
            return c2

        lax.fori_loop(0, 7, body, 0)
        wait_g(1); scatter(22, 1); wait_s(0); gather(24, 0)
        wait_g(2); scatter(23, 2); wait_s(1)
        wait_g(0); scatter(24, 0); wait_s(2); wait_s(0)
        return carry

    lax.fori_loop(0, NG, group, 0)
    plsc.subcore_barrier()

    @pl.when(sid < NS - 1)
    def _():
        pltpu.sync_copy(acc_sh.at[pl.ds(sid * ROWS_W, ROWS_W)],
                        out_hbm.at[cid, pl.ds(sid * ROWS_W, ROWS_W)])

    @pl.when(sid == NS - 1)
    def _():
        pltpu.sync_copy(acc_sh.at[pl.ds((NS - 1) * ROWS_W, LAST_W)],
                        out_hbm.at[cid, pl.ds((NS - 1) * ROWS_W, LAST_W)])


def _dinv(dt_ref):
    return lax.rsqrt(1.0 + dt_ref[:, 0] + dt_ref[:, 1])


def _mm_body(x_ref, w_ref, dt_ref, o_ref):
    xw = jnp.dot(x_ref[...], w_ref[...], preferred_element_type=jnp.float32)
    o_ref[...] = xw * _dinv(dt_ref)[:, None]


def _matmul_tc(x, W, deg_t):
    return pl.pallas_call(
        _mm_body,
        out_shape=jax.ShapeDtypeStruct((N, D), jnp.float32),
    )(x, W, deg_t)


def _bn_body(acc_ref, y_ref, dt_ref, g_ref, b_ref, o_ref):
    z = (acc_ref[0] + acc_ref[1] + y_ref[...]) * _dinv(dt_ref)[:, None]
    mean = jnp.sum(z, axis=0, keepdims=True) * (1.0 / N)
    var = jnp.sum(z * z, axis=0, keepdims=True) * (1.0 / N) - mean * mean
    scale = lax.rsqrt(var + 1e-5) * g_ref[...]
    shift = b_ref[...] - mean * scale
    o_ref[...] = jnp.maximum(z * scale + shift, 0.0)


def _bn_tc(acc, y, deg_t, gamma, beta):
    return pl.pallas_call(
        _bn_body,
        out_shape=jax.ShapeDtypeStruct((N, D), jnp.float32),
    )(acc, y, deg_t, gamma, beta)


def kernel(x, W, b, gamma, beta, edge_index):
    del b
    ei = edge_index.astype(jnp.int32)
    src3 = ei[0].reshape(NW, NG, CPG, CHUNK)
    dst3 = ei[1].reshape(NW, NG, CPG, CHUNK)

    zeros_np = jnp.zeros((NP,), jnp.float32)
    ones_c = jnp.ones((CHUNK,), jnp.float32)
    zeros_rw = jnp.zeros((ROWS_W, D), jnp.float32)

    degf = _deg_sc(dst3, zeros_np, ones_c)
    deg_t = degf.reshape(NC, NP).T[:N]
    y = _matmul_tc(x, W, deg_t)
    acc = _scatter_sc(src3, dst3, y, zeros_rw)
    out = _bn_tc(acc, y, deg_t,
                 gamma.reshape(1, D), beta.reshape(1, D))
    return out

# --- scband reference (transcript-rebuilt; emitter-appended) ---
"""Pipeline reference for scband-spatial-conv-90520730730507 (READ-ONLY COPY).

The authoritative reference and input builder live on the scoring server;
editing this copy changes nothing except your own understanding.
"""

import jax, jax.numpy as jnp
import numpy as np

N_NODES = 10000
N_EDGES = 320000
D_IN = 128
D_OUT = 128


def setup_inputs(seed: int = 0) -> dict:
    key = jax.random.key(seed)
    k1, k2, k3 = jax.random.split(key, 3)
    x = jax.random.normal(k1, (N_NODES, D_IN), dtype=jnp.float32)
    edge_index = jax.random.randint(k2, (2, N_EDGES), 0, N_NODES, dtype=jnp.int64)
    # GCNConv linear weight (glorot) and bias (zeros, as in PyG default init)
    limit = float(np.sqrt(6.0 / (D_IN + D_OUT)))
    W = jax.random.uniform(k3, (D_IN, D_OUT), dtype=jnp.float32, minval=-limit, maxval=limit)
    b = jnp.zeros((D_OUT,), dtype=jnp.float32)
    # BatchNorm1d affine params
    gamma = jnp.ones((D_OUT,), dtype=jnp.float32)
    beta = jnp.zeros((D_OUT,), dtype=jnp.float32)
    return {"x": x, "W": W, "b": b, "gamma": gamma, "beta": beta, "edge_index": edge_index}


def reference(x, W, b, gamma, beta, edge_index):
    N = x.shape[0]
    # --- GCNConv: linear transform ---
    x_lin = x @ W
    # --- add self loops ---
    loop = jnp.arange(N, dtype=edge_index.dtype)
    src = jnp.concatenate([edge_index[0], loop])
    dst = jnp.concatenate([edge_index[1], loop])
    # --- symmetric normalization (deg computed on dst with edge_weight=1) ---
    deg = jnp.zeros((N,), dtype=x_lin.dtype).at[dst].add(1.0)
    deg_inv_sqrt = jnp.where(deg > 0, jax.lax.rsqrt(jnp.where(deg > 0, deg, 1.0)), 0.0)
    norm = deg_inv_sqrt[src] * deg_inv_sqrt[dst]
    # --- message passing: gather, scale, scatter-add ---
    msgs = x_lin[src] * norm[:, None]
    out = jnp.zeros_like(x_lin).at[dst].add(msgs)
    out = out + b
    # --- BatchNorm1d (training mode: batch statistics, biased var) ---
    mean = jnp.mean(out, axis=0)
    var = jnp.mean((out - mean) ** 2, axis=0)
    out = (out - mean) * jax.lax.rsqrt(var + 1e-5) * gamma + beta
    # --- ReLU ---
    out = jnp.maximum(out, 0.0)
    # --- Dropout: identity at inference ---
    return out

if __name__ == "__main__":
    import jax
    _d = setup_inputs()
    print(jax.jit(kernel)(*tuple(_d.values())))

</pallas_src>

<mosaic_0001>
#map = affine_map<(d0, d1) -> (0, 0, 0, 0)>
#map1 = affine_map<(d0, d1) -> (0, 0)>
#map2 = affine_map<(d0, d1) -> (0, 0, 0)>
module attributes {stable_mosaic.version = 14 : i64} {
  func.func @_scatter_sc_body(%arg0: i32, %arg1: i32, %arg2: memref<32x4x25x100xi32, #tpu.memory_space<hbm>>, %arg3: memref<32x4x25x100xi32, #tpu.memory_space<hbm>>, %arg4: memref<10000x128xf32, #tpu.memory_space<hbm>>, %arg5: memref<632x128xf32, #tpu.memory_space<hbm>>, %arg6: memref<2x10000x128xf32, #tpu.memory_space<hbm>>, %arg7: memref<25x100xi32, #tpu.memory_space<vmem>>, %arg8: memref<25x100xi32, #tpu.memory_space<vmem>>, %arg9: memref<100x128xf32, #tpu.memory_space<vmem>>, %arg10: memref<100x128xf32, #tpu.memory_space<vmem>>, %arg11: memref<100x128xf32, #tpu.memory_space<vmem>>, %arg12: memref<10112x128xf32, #tpu.memory_space<vmem_shared>>, %arg13: memref<!tpu.dma_semaphore, #tpu.memory_space<semaphore_mem>>, %arg14: memref<!tpu.dma_semaphore, #tpu.memory_space<semaphore_mem>>, %arg15: memref<!tpu.dma_semaphore, #tpu.memory_space<semaphore_mem>>, %arg16: memref<!tpu.dma_semaphore, #tpu.memory_space<semaphore_mem>>, %arg17: memref<!tpu.dma_semaphore, #tpu.memory_space<semaphore_mem>>, %arg18: memref<!tpu.dma_semaphore, #tpu.memory_space<semaphore_mem>>) attributes {dimension_semantics = [#tpu.dimension_semantics<core_parallel>, #tpu.dimension_semantics<subcore_parallel>], iteration_bounds = array<i64: 2, 16>, scalar_prefetch = 0 : i64, scratch_operands = 12 : i64, tpu.core_type = #tpu.core_type<sc_vector_subcore>, window_params = [{transform_indices = #map}, {transform_indices = #map}, {transform_indices = #map1}, {transform_indices = #map1}, {transform_indices = #map2}]} {
    %mul3A = arith.constant 16 : i32
    %mul3A_0 = arith.muli %arg0, %mul3A : i32
    %add3A = arith.addi %mul3A_0, %arg1 : i32
    %lt3A = arith.constant 15 : i32
    %lt3A_1 = arith.cmpi slt, %arg1, %lt3A : i32
    %convert_element_type3A = arith.extui %lt3A_1 : i1 to i32
    %cond3A = arith.constant 0 : i32
    %cond3A_2 = arith.cmpi ne, %convert_element_type3A, %cond3A : i32
    scf.if %cond3A_2 {
      %mul3A_23 = arith.constant 632 : i32
      %mul3A_24 = arith.muli %arg1, %mul3A_23 : i32
      "tpu.region"() ({
        %run_scoped3A = tpu.sem_alloc : memref<!tpu.dma_semaphore, #tpu.memory_space<semaphore_mem>>
        %dma_start3A = arith.constant 0 : i32
        %dma_start3A_25 = tpu.memref_slice %arg12[%mul3A_24, %dma_start3A] : memref<10112x128xf32, #tpu.memory_space<vmem_shared>> -> memref<632x128xf32, #tpu.memory_space<vmem_shared>>
        tpu.enqueue_dma source(%arg5 : memref<632x128xf32, #tpu.memory_space<hbm>>) target(%dma_start3A_25 : memref<632x128xf32, #tpu.memory_space<vmem_shared>>) target_semaphore(%run_scoped3A : memref<!tpu.dma_semaphore, #tpu.memory_space<semaphore_mem>>)
        %dma_wait3A = arith.constant 0 : i32
        %dma_wait3A_26 = tpu.memref_slice %arg12[%mul3A_24, %dma_wait3A] : memref<10112x128xf32, #tpu.memory_space<vmem_shared>> -> memref<632x128xf32, #tpu.memory_space<vmem_shared>>
        tpu.wait_dma2 semaphore(%run_scoped3A : memref<!tpu.dma_semaphore, #tpu.memory_space<semaphore_mem>>) src(%arg5 : memref<632x128xf32, #tpu.memory_space<hbm>>) dst(%dma_wait3A_26 : memref<632x128xf32, #tpu.memory_space<vmem_shared>>)
        tpu.yield
      }) : () -> ()
    } else {
    }
    %eq3A = arith.constant 15 : i32
    %eq3A_3 = arith.cmpi eq, %arg1, %eq3A : i32
    %convert_element_type3A_4 = arith.extui %eq3A_3 : i1 to i32
    %cond3A_5 = arith.constant 0 : i32
    %cond3A_6 = arith.cmpi ne, %convert_element_type3A_4, %cond3A_5 : i32
    scf.if %cond3A_6 {
      "tpu.region"() ({
        %run_scoped3A = tpu.sem_alloc : memref<!tpu.dma_semaphore, #tpu.memory_space<semaphore_mem>>
        %dma_start3A = arith.constant 9480 : i32
        %dma_start3A_23 = arith.constant 0 : i32
        %dma_start3A_24 = tpu.memref_slice %arg12[%dma_start3A, %dma_start3A_23] : memref<10112x128xf32, #tpu.memory_space<vmem_shared>> -> memref<520x128xf32, #tpu.memory_space<vmem_shared>>
        %dma_start3A_25 = arith.constant 0 : i32
        %dma_start3A_26 = arith.constant 0 : i32
        %dma_start3A_27 = tpu.memref_slice %arg5[%dma_start3A_25, %dma_start3A_26] : memref<632x128xf32, #tpu.memory_space<hbm>> -> memref<520x128xf32, #tpu.memory_space<hbm>>
        tpu.enqueue_dma source(%dma_start3A_27 : memref<520x128xf32, #tpu.memory_space<hbm>>) target(%dma_start3A_24 : memref<520x128xf32, #tpu.memory_space<vmem_shared>>) target_semaphore(%run_scoped3A : memref<!tpu.dma_semaphore, #tpu.memory_space<semaphore_mem>>)
        %dma_wait3A = arith.constant 9480 : i32
        %dma_wait3A_28 = arith.constant 0 : i32
        %dma_wait3A_29 = tpu.memref_slice %arg12[%dma_wait3A, %dma_wait3A_28] : memref<10112x128xf32, #tpu.memory_space<vmem_shared>> -> memref<520x128xf32, #tpu.memory_space<vmem_shared>>
        %dma_wait3A_30 = arith.constant 0 : i32
        %dma_wait3A_31 = arith.constant 0 : i32
        %dma_wait3A_32 = tpu.memref_slice %arg5[%dma_wait3A_30, %dma_wait3A_31] : memref<632x128xf32, #tpu.memory_space<hbm>> -> memref<520x128xf32, #tpu.memory_space<hbm>>
        tpu.wait_dma2 semaphore(%run_scoped3A : memref<!tpu.dma_semaphore, #tpu.memory_space<semaphore_mem>>) src(%dma_wait3A_32 : memref<520x128xf32, #tpu.memory_space<hbm>>) dst(%dma_wait3A_29 : memref<520x128xf32, #tpu.memory_space<vmem_shared>>)
        tpu.yield
      }) : () -> ()
    } else {
    }
    %barrier3A = arith.constant 0 : index
    tpu.barrier barrier_id(%barrier3A)
    %scan3A = arith.constant 0 : i32
    %scan3A_7 = arith.constant 0 : i32
    %scan3A_8 = arith.constant 4 : i32
    %scan3A_9 = arith.addi %scan3A_7, %scan3A_8 : i32
    %scan3A_10 = arith.constant 1 : i32
    scf.for %scan3A_23 = %scan3A_7 to %scan3A_9 step %scan3A_10  : i32 {
      "tpu.region"() ({
        %run_scoped3A = tpu.sem_alloc : memref<!tpu.dma_semaphore, #tpu.memory_space<semaphore_mem>>
        %dma_start3A_140 = arith.constant 0 : i32
        %dma_start3A_141 = arith.constant 0 : i32
        %dma_start3A_142 = tpu.memref_slice %arg2[%add3A, %scan3A_23, %dma_start3A_140, %dma_start3A_141] : memref<32x4x25x100xi32, #tpu.memory_space<hbm>> -> memref<1x1x25x100xi32, #tpu.memory_space<hbm>>
        %dma_start3A_143 = tpu.memref_squeeze %dma_start3A_142 : memref<1x1x25x100xi32, #tpu.memory_space<hbm>> -> memref<25x100xi32, #tpu.memory_space<hbm>>
        %dma_start3A_144 = arith.constant 0 : i32
        %dma_start3A_145 = arith.constant 0 : i32
        %dma_start3A_146 = tpu.memref_slice %arg2[%add3A, %scan3A_23, %dma_start3A_144, %dma_start3A_145] : memref<32x4x25x100xi32, #tpu.memory_space<hbm>> -> memref<1x1x25x100xi32, #tpu.memory_space<hbm>>
        %dma_start3A_147 = tpu.memref_squeeze %dma_start3A_146 : memref<1x1x25x100xi32, #tpu.memory_space<hbm>> -> memref<25x100xi32, #tpu.memory_space<hbm>>
        tpu.enqueue_dma source(%dma_start3A_147 : memref<25x100xi32, #tpu.memory_space<hbm>>) target(%arg7 : memref<25x100xi32, #tpu.memory_space<vmem>>) target_semaphore(%run_scoped3A : memref<!tpu.dma_semaphore, #tpu.memory_space<semaphore_mem>>)
        %dma_wait3A_148 = arith.constant 0 : i32
        %dma_wait3A_149 = arith.constant 0 : i32
        %dma_wait3A_150 = tpu.memref_slice %arg2[%add3A, %scan3A_23, %dma_wait3A_148, %dma_wait3A_149] : memref<32x4x25x100xi32, #tpu.memory_space<hbm>> -> memref<1x1x25x100xi32, #tpu.memory_space<hbm>>
        %dma_wait3A_151 = tpu.memref_squeeze %dma_wait3A_150 : memref<1x1x25x100xi32, #tpu.memory_space<hbm>> -> memref<25x100xi32, #tpu.memory_space<hbm>>
        %dma_wait3A_152 = arith.constant 0 : i32
        %dma_wait3A_153 = arith.constant 0 : i32
        %dma_wait3A_154 = tpu.memref_slice %arg2[%add3A, %scan3A_23, %dma_wait3A_152, %dma_wait3A_153] : memref<32x4x25x100xi32, #tpu.memory_space<hbm>> -> memref<1x1x25x100xi32, #tpu.memory_space<hbm>>
        %dma_wait3A_155 = tpu.memref_squeeze %dma_wait3A_154 : memref<1x1x25x100xi32, #tpu.memory_space<hbm>> -> memref<25x100xi32, #tpu.memory_space<hbm>>
        tpu.wait_dma2 semaphore(%run_scoped3A : memref<!tpu.dma_semaphore, #tpu.memory_space<semaphore_mem>>) src(%dma_wait3A_155 : memref<25x100xi32, #tpu.memory_space<hbm>>) dst(%arg7 : memref<25x100xi32, #tpu.memory_space<vmem>>)
        tpu.yield
      }) : () -> ()
      "tpu.region"() ({
        %run_scoped3A = tpu.sem_alloc : memref<!tpu.dma_semaphore, #tpu.memory_space<semaphore_mem>>
        %dma_start3A_140 = arith.constant 0 : i32
        %dma_start3A_141 = arith.constant 0 : i32
        %dma_start3A_142 = tpu.memref_slice %arg3[%add3A, %scan3A_23, %dma_start3A_140, %dma_start3A_141] : memref<32x4x25x100xi32, #tpu.memory_space<hbm>> -> memref<1x1x25x100xi32, #tpu.memory_space<hbm>>
        %dma_start3A_143 = tpu.memref_squeeze %dma_start3A_142 : memref<1x1x25x100xi32, #tpu.memory_space<hbm>> -> memref<25x100xi32, #tpu.memory_space<hbm>>
        %dma_start3A_144 = arith.constant 0 : i32
        %dma_start3A_145 = arith.constant 0 : i32
        %dma_start3A_146 = tpu.memref_slice %arg3[%add3A, %scan3A_23, %dma_start3A_144, %dma_start3A_145] : memref<32x4x25x100xi32, #tpu.memory_space<hbm>> -> memref<1x1x25x100xi32, #tpu.memory_space<hbm>>
        %dma_start3A_147 = tpu.memref_squeeze %dma_start3A_146 : memref<1x1x25x100xi32, #tpu.memory_space<hbm>> -> memref<25x100xi32, #tpu.memory_space<hbm>>
        tpu.enqueue_dma source(%dma_start3A_147 : memref<25x100xi32, #tpu.memory_space<hbm>>) target(%arg8 : memref<25x100xi32, #tpu.memory_space<vmem>>) target_semaphore(%run_scoped3A : memref<!tpu.dma_semaphore, #tpu.memory_space<semaphore_mem>>)
        %dma_wait3A_148 = arith.constant 0 : i32
        %dma_wait3A_149 = arith.constant 0 : i32
        %dma_wait3A_150 = tpu.memref_slice %arg3[%add3A, %scan3A_23, %dma_wait3A_148, %dma_wait3A_149] : memref<32x4x25x100xi32, #tpu.memory_space<hbm>> -> memref<1x1x25x100xi32, #tpu.memory_space<hbm>>
        %dma_wait3A_151 = tpu.memref_squeeze %dma_wait3A_150 : memref<1x1x25x100xi32, #tpu.memory_space<hbm>> -> memref<25x100xi32, #tpu.memory_space<hbm>>
        %dma_wait3A_152 = arith.constant 0 : i32
        %dma_wait3A_153 = arith.constant 0 : i32
        %dma_wait3A_154 = tpu.memref_slice %arg3[%add3A, %scan3A_23, %dma_wait3A_152, %dma_wait3A_153] : memref<32x4x25x100xi32, #tpu.memory_space<hbm>> -> memref<1x1x25x100xi32, #tpu.memory_space<hbm>>
        %dma_wait3A_155 = tpu.memref_squeeze %dma_wait3A_154 : memref<1x1x25x100xi32, #tpu.memory_space<hbm>> -> memref<25x100xi32, #tpu.memory_space<hbm>>
        tpu.wait_dma2 semaphore(%run_scoped3A : memref<!tpu.dma_semaphore, #tpu.memory_space<semaphore_mem>>) src(%dma_wait3A_155 : memref<25x100xi32, #tpu.memory_space<hbm>>) dst(%arg8 : memref<25x100xi32, #tpu.memory_space<vmem>>)
        tpu.yield
      }) : () -> ()
      %dma_start3A = arith.constant 0 : i32
      %dma_start3A_24 = arith.constant 0 : i32
      %dma_start3A_25 = tpu.memref_slice %arg7[%dma_start3A, %dma_start3A_24] : memref<25x100xi32, #tpu.memory_space<vmem>> -> memref<1x100xi32, #tpu.memory_space<vmem>>
      %dma_start3A_26 = tpu.memref_squeeze %dma_start3A_25 : memref<1x100xi32, #tpu.memory_space<vmem>> -> memref<100xi32, #tpu.memory_space<vmem>>
      %dma_start3A_27 = arith.constant 0 : i32
      %dma_start3A_28 = arith.constant 0 : i32
      %dma_start3A_29 = tpu.memref_slice %arg4[%dma_start3A_27, %dma_start3A_28] : memref<10000x128xf32, #tpu.memory_space<hbm>> -> memref<10000x128xf32, #tpu.memory_space<hbm>>
      tpu.enqueue_indirect_dma source(%dma_start3A_29 : memref<10000x128xf32, #tpu.memory_space<hbm>>) target(%arg9 : memref<100x128xf32, #tpu.memory_space<vmem>>) offsets(%dma_start3A_26 : memref<100xi32, #tpu.memory_space<vmem>>) semaphore(%arg13 : memref<!tpu.dma_semaphore, #tpu.memory_space<semaphore_mem>>)
      %dma_start3A_30 = arith.constant 1 : i32
      %dma_start3A_31 = arith.constant 0 : i32
      %dma_start3A_32 = tpu.memref_slice %arg7[%dma_start3A_30, %dma_start3A_31] : memref<25x100xi32, #tpu.memory_space<vmem>> -> memref<1x100xi32, #tpu.memory_space<vmem>>
      %dma_start3A_33 = tpu.memref_squeeze %dma_start3A_32 : memref<1x100xi32, #tpu.memory_space<vmem>> -> memref<100xi32, #tpu.memory_space<vmem>>
      %dma_start3A_34 = arith.constant 0 : i32
      %dma_start3A_35 = arith.constant 0 : i32
      %dma_start3A_36 = tpu.memref_slice %arg4[%dma_start3A_34, %dma_start3A_35] : memref<10000x128xf32, #tpu.memory_space<hbm>> -> memref<10000x128xf32, #tpu.memory_space<hbm>>
      tpu.enqueue_indirect_dma source(%dma_start3A_36 : memref<10000x128xf32, #tpu.memory_space<hbm>>) target(%arg10 : memref<100x128xf32, #tpu.memory_space<vmem>>) offsets(%dma_start3A_33 : memref<100xi32, #tpu.memory_space<vmem>>) semaphore(%arg14 : memref<!tpu.dma_semaphore, #tpu.memory_space<semaphore_mem>>)
      %dma_wait3A = arith.constant 0 : i32
      %dma_wait3A_37 = arith.constant 0 : i32
      %dma_wait3A_38 = tpu.memref_slice %arg7[%dma_wait3A, %dma_wait3A_37] : memref<25x100xi32, #tpu.memory_space<vmem>> -> memref<1x100xi32, #tpu.memory_space<vmem>>
      %dma_wait3A_39 = tpu.memref_squeeze %dma_wait3A_38 : memref<1x100xi32, #tpu.memory_space<vmem>> -> memref<100xi32, #tpu.memory_space<vmem>>
      %dma_wait3A_40 = arith.constant 0 : i32
      %dma_wait3A_41 = arith.constant 0 : i32
      %dma_wait3A_42 = tpu.memref_slice %arg4[%dma_wait3A_40, %dma_wait3A_41] : memref<10000x128xf32, #tpu.memory_space<hbm>> -> memref<10000x128xf32, #tpu.memory_space<hbm>>
      tpu.wait_indirect_dma semaphore(%arg13 : memref<!tpu.dma_semaphore, #tpu.memory_space<semaphore_mem>>) src(%dma_wait3A_42 : memref<10000x128xf32, #tpu.memory_space<hbm>>) dst(%arg9 : memref<100x128xf32, #tpu.memory_space<vmem>>)
      %dma_start3A_43 = arith.constant 0 : i32
      %dma_start3A_44 = arith.constant 0 : i32
      %dma_start3A_45 = tpu.memref_slice %arg8[%dma_start3A_43, %dma_start3A_44] : memref<25x100xi32, #tpu.memory_space<vmem>> -> memref<1x100xi32, #tpu.memory_space<vmem>>
      %dma_start3A_46 = tpu.memref_squeeze %dma_start3A_45 : memref<1x100xi32, #tpu.memory_space<vmem>> -> memref<100xi32, #tpu.memory_space<vmem>>
      %dma_start3A_47 = arith.constant 0 : i32
      %dma_start3A_48 = arith.constant 0 : i32
      %dma_start3A_49 = tpu.memref_slice %arg12[%dma_start3A_47, %dma_start3A_48] : memref<10112x128xf32, #tpu.memory_space<vmem_shared>> -> memref<10112x128xf32, #tpu.memory_space<vmem_shared>>
      tpu.enqueue_indirect_dma source(%arg9 : memref<100x128xf32, #tpu.memory_space<vmem>>) target(%dma_start3A_49 : memref<10112x128xf32, #tpu.memory_space<vmem_shared>>) offsets(%dma_start3A_46 : memref<100xi32, #tpu.memory_space<vmem>>) semaphore(%arg16 : memref<!tpu.dma_semaphore, #tpu.memory_space<semaphore_mem>>) {add = true}
      %dma_start3A_50 = arith.constant 2 : i32
      %dma_start3A_51 = arith.constant 0 : i32
      %dma_start3A_52 = tpu.memref_slice %arg7[%dma_start3A_50, %dma_start3A_51] : memref<25x100xi32, #tpu.memory_space<vmem>> -> memref<1x100xi32, #tpu.memory_space<vmem>>
      %dma_start3A_53 = tpu.memref_squeeze %dma_start3A_52 : memref<1x100xi32, #tpu.memory_space<vmem>> -> memref<100xi32, #tpu.memory_space<vmem>>
      %dma_start3A_54 = arith.constant 0 : i32
      %dma_start3A_55 = arith.constant 0 : i32
      %dma_start3A_56 = tpu.memref_slice %arg4[%dma_start3A_54, %dma_start3A_55] : memref<10000x128xf32, #tpu.memory_space<hbm>> -> memref<10000x128xf32, #tpu.memory_space<hbm>>
      tpu.enqueue_indirect_dma source(%dma_start3A_56 : memref<10000x128xf32, #tpu.memory_space<hbm>>) target(%arg11 : memref<100x128xf32, #tpu.memory_space<vmem>>) offsets(%dma_start3A_53 : memref<100xi32, #tpu.memory_space<vmem>>) semaphore(%arg15 : memref<!tpu.dma_semaphore, #tpu.memory_space<semaphore_mem>>)
      %scan3A_57 = arith.constant 0 : i32
      %scan3A_58 = arith.constant 0 : i32
      %scan3A_59 = arith.constant 7 : i32
      %scan3A_60 = arith.addi %scan3A_58, %scan3A_59 : i32
      %scan3A_61 = arith.constant 1 : i32
      scf.for %scan3A_140 = %scan3A_58 to %scan3A_60 step %scan3A_61  : i32 {
        %mul3A_141 = arith.constant 3 : i32
        %mul3A_142 = arith.muli %mul3A_141, %scan3A_140 : i32
        %add3A_143 = arith.constant 0 : i32
        %add3A_144 = arith.addi %mul3A_142, %add3A_143 : i32
        %add3A_145 = arith.constant 1 : i32
        %add3A_146 = arith.addi %add3A_144, %add3A_145 : i32
        %dma_wait3A_147 = arith.constant 0 : i32
        %dma_wait3A_148 = arith.constant 0 : i32
        %dma_wait3A_149 = tpu.memref_slice %arg7[%dma_wait3A_147, %dma_wait3A_148] : memref<25x100xi32, #tpu.memory_space<vmem>> -> memref<1x100xi32, #tpu.memory_space<vmem>>
        %dma_wait3A_150 = tpu.memref_squeeze %dma_wait3A_149 : memref<1x100xi32, #tpu.memory_space<vmem>> -> memref<100xi32, #tpu.memory_space<vmem>>
        %dma_wait3A_151 = arith.constant 0 : i32
        %dma_wait3A_152 = arith.constant 0 : i32
        %dma_wait3A_153 = tpu.memref_slice %arg4[%dma_wait3A_151, %dma_wait3A_152] : memref<10000x128xf32, #tpu.memory_space<hbm>> -> memref<10000x128xf32, #tpu.memory_space<hbm>>
        tpu.wait_indirect_dma semaphore(%arg14 : memref<!tpu.dma_semaphore, #tpu.memory_space<semaphore_mem>>) src(%dma_wait3A_153 : memref<10000x128xf32, #tpu.memory_space<hbm>>) dst(%arg10 : memref<100x128xf32, #tpu.memory_space<vmem>>)
        %dma_start3A_154 = arith.constant 0 : i32
        %dma_start3A_155 = tpu.memref_slice %arg8[%add3A_146, %dma_start3A_154] : memref<25x100xi32, #tpu.memory_space<vmem>> -> memref<1x100xi32, #tpu.memory_space<vmem>>
        %dma_start3A_156 = tpu.memref_squeeze %dma_start3A_155 : memref<1x100xi32, #tpu.memory_space<vmem>> -> memref<100xi32, #tpu.memory_space<vmem>>
        %dma_start3A_157 = arith.constant 0 : i32
        %dma_start3A_158 = arith.constant 0 : i32
        %dma_start3A_159 = tpu.memref_slice %arg12[%dma_start3A_157, %dma_start3A_158] : memref<10112x128xf32, #tpu.memory_space<vmem_shared>> -> memref<10112x128xf32, #tpu.memory_space<vmem_shared>>
        tpu.enqueue_indirect_dma source(%arg10 : memref<100x128xf32, #tpu.memory_space<vmem>>) target(%dma_start3A_159 : memref<10112x128xf32, #tpu.memory_space<vmem_shared>>) offsets(%dma_start3A_156 : memref<100xi32, #tpu.memory_space<vmem>>) semaphore(%arg17 : memref<!tpu.dma_semaphore, #tpu.memory_space<semaphore_mem>>) {add = true}
        %dma_wait3A_160 = arith.constant 0 : i32
        %dma_wait3A_161 = arith.constant 0 : i32
        %dma_wait3A_162 = tpu.memref_slice %arg8[%dma_wait3A_160, %dma_wait3A_161] : memref<25x100xi32, #tpu.memory_space<vmem>> -> memref<1x100xi32, #tpu.memory_space<vmem>>
        %dma_wait3A_163 = tpu.memref_squeeze %dma_wait3A_162 : memref<1x100xi32, #tpu.memory_space<vmem>> -> memref<100xi32, #tpu.memory_space<vmem>>
        %dma_wait3A_164 = arith.constant 0 : i32
        %dma_wait3A_165 = arith.constant 0 : i32
        %dma_wait3A_166 = tpu.memref_slice %arg12[%dma_wait3A_164, %dma_wait3A_165] : memref<10112x128xf32, #tpu.memory_space<vmem_shared>> -> memref<10112x128xf32, #tpu.memory_space<vmem_shared>>
        tpu.wait_indirect_dma semaphore(%arg16 : memref<!tpu.dma_semaphore, #tpu.memory_space<semaphore_mem>>) src(%arg9 : memref<100x128xf32, #tpu.memory_space<vmem>>) dst(%dma_wait3A_166 : memref<10112x128xf32, #tpu.memory_space<vmem_shared>>)
        %add3A_167 = arith.constant 2 : i32
        %add3A_168 = arith.addi %add3A_146, %add3A_167 : i32
        %dma_start3A_169 = arith.constant 0 : i32
        %dma_start3A_170 = tpu.memref_slice %arg7[%add3A_168, %dma_start3A_169] : memref<25x100xi32, #tpu.memory_space<vmem>> -> memref<1x100xi32, #tpu.memory_space<vmem>>
        %dma_start3A_171 = tpu.memref_squeeze %dma_start3A_170 : memref<1x100xi32, #tpu.memory_space<vmem>> -> memref<100xi32, #tpu.memory_space<vmem>>
        %dma_start3A_172 = arith.constant 0 : i32
        %dma_start3A_173 = arith.constant 0 : i32
        %dma_start3A_174 = tpu.memref_slice %arg4[%dma_start3A_172, %dma_start3A_173] : memref<10000x128xf32, #tpu.memory_space<hbm>> -> memref<10000x128xf32, #tpu.memory_space<hbm>>
        tpu.enqueue_indirect_dma source(%dma_start3A_174 : memref<10000x128xf32, #tpu.memory_space<hbm>>) target(%arg9 : memref<100x128xf32, #tpu.memory_space<vmem>>) offsets(%dma_start3A_171 : memref<100xi32, #tpu.memory_space<vmem>>) semaphore(%arg13 : memref<!tpu.dma_semaphore, #tpu.memory_space<semaphore_mem>>)
        %mul3A_175 = arith.constant 3 : i32
        %mul3A_176 = arith.muli %mul3A_175, %scan3A_140 : i32
        %add3A_177 = arith.constant 1 : i32
        %add3A_178 = arith.addi %mul3A_176, %add3A_177 : i32
        %add3A_179 = arith.constant 1 : i32
        %add3A_180 = arith.addi %add3A_178, %add3A_179 : i32
        %dma_wait3A_181 = arith.constant 0 : i32
        %dma_wait3A_182 = arith.constant 0 : i32
        %dma_wait3A_183 = tpu.memref_slice %arg7[%dma_wait3A_181, %dma_wait3A_182] : memref<25x100xi32, #tpu.memory_space<vmem>> -> memref<1x100xi32, #tpu.memory_space<vmem>>
        %dma_wait3A_184 = tpu.memref_squeeze %dma_wait3A_183 : memref<1x100xi32, #tpu.memory_space<vmem>> -> memref<100xi32, #tpu.memory_space<vmem>>
        %dma_wait3A_185 = arith.constant 0 : i32
        %dma_wait3A_186 = arith.constant 0 : i32
        %dma_wait3A_187 = tpu.memref_slice %arg4[%dma_wait3A_185, %dma_wait3A_186] : memref<10000x128xf32, #tpu.memory_space<hbm>> -> memref<10000x128xf32, #tpu.memory_space<hbm>>
        tpu.wait_indirect_dma semaphore(%arg15 : memref<!tpu.dma_semaphore, #tpu.memory_space<semaphore_mem>>) src(%dma_wait3A_187 : memref<10000x128xf32, #tpu.memory_space<hbm>>) dst(%arg11 : memref<100x128xf32, #tpu.memory_space<vmem>>)
        %dma_start3A_188 = arith.constant 0 : i32
        %dma_start3A_189 = tpu.memref_slice %arg8[%add3A_180, %dma_start3A_188] : memref<25x100xi32, #tpu.memory_space<vmem>> -> memref<1x100xi32, #tpu.memory_space<vmem>>
        %dma_start3A_190 = tpu.memref_squeeze %dma_start3A_189 : memref<1x100xi32, #tpu.memory_space<vmem>> -> memref<100xi32, #tpu.memory_space<vmem>>
        %dma_start3A_191 = arith.constant 0 : i32
        %dma_start3A_192 = arith.constant 0 : i32
        %dma_start3A_193 = tpu.memref_slice %arg12[%dma_start3A_191, %dma_start3A_192] : memref<10112x128xf32, #tpu.memory_space<vmem_shared>> -> memref<10112x128xf32, #tpu.memory_space<vmem_shared>>
        tpu.enqueue_indirect_dma source(%arg11 : memref<100x128xf32, #tpu.memory_space<vmem>>) target(%dma_start3A_193 : memref<10112x128xf32, #tpu.memory_space<vmem_shared>>) offsets(%dma_start3A_190 : memref<100xi32, #tpu.memory_space<vmem>>) semaphore(%arg18 : memref<!tpu.dma_semaphore, #tpu.memory_space<semaphore_mem>>) {add = true}
        %dma_wait3A_194 = arith.constant 0 : i32
        %dma_wait3A_195 = arith.constant 0 : i32
        %dma_wait3A_196 = tpu.memref_slice %arg8[%dma_wait3A_194, %dma_wait3A_195] : memref<25x100xi32, #tpu.memory_space<vmem>> -> memref<1x100xi32, #tpu.memory_space<vmem>>
        %dma_wait3A_197 = tpu.memref_squeeze %dma_wait3A_196 : memref<1x100xi32, #tpu.memory_space<vmem>> -> memref<100xi32, #tpu.memory_space<vmem>>
        %dma_wait3A_198 = arith.constant 0 : i32
        %dma_wait3A_199 = arith.constant 0 : i32
        %dma_wait3A_200 = tpu.memref_slice %arg12[%dma_wait3A_198, %dma_wait3A_199] : memref<10112x128xf32, #tpu.memory_space<vmem_shared>> -> memref<10112x128xf32, #tpu.memory_space<vmem_shared>>
        tpu.wait_indirect_dma semaphore(%arg17 : memref<!tpu.dma_semaphore, #tpu.memory_space<semaphore_mem>>) src(%arg10 : memref<100x128xf32, #tpu.memory_space<vmem>>) dst(%dma_wait3A_200 : memref<10112x128xf32, #tpu.memory_space<vmem_shared>>)
        %add3A_201 = arith.constant 2 : i32
        %add3A_202 = arith.addi %add3A_180, %add3A_201 : i32
        %dma_start3A_203 = arith.constant 0 : i32
        %dma_start3A_204 = tpu.memref_slice %arg7[%add3A_202, %dma_start3A_203] : memref<25x100xi32, #tpu.memory_space<vmem>> -> memref<1x100xi32, #tpu.memory_space<vmem>>
        %dma_start3A_205 = tpu.memref_squeeze %dma_start3A_204 : memref<1x100xi32, #tpu.memory_space<vmem>> -> memref<100xi32, #tpu.memory_space<vmem>>
        %dma_start3A_206 = arith.constant 0 : i32
        %dma_start3A_207 = arith.constant 0 : i32
        %dma_start3A_208 = tpu.memref_slice %arg4[%dma_start3A_206, %dma_start3A_207] : memref<10000x128xf32, #tpu.memory_space<hbm>> -> memref<10000x128xf32, #tpu.memory_space<hbm>>
        tpu.enqueue_indirect_dma source(%dma_start3A_208 : memref<10000x128xf32, #tpu.memory_space<hbm>>) target(%arg10 : memref<100x128xf32, #tpu.memory_space<vmem>>) offsets(%dma_start3A_205 : memref<100xi32, #tpu.memory_space<vmem>>) semaphore(%arg14 : memref<!tpu.dma_semaphore, #tpu.memory_space<semaphore_mem>>)
        %mul3A_209 = arith.constant 3 : i32
        %mul3A_210 = arith.muli %mul3A_209, %scan3A_140 : i32
        %add3A_211 = arith.constant 2 : i32
        %add3A_212 = arith.addi %mul3A_210, %add3A_211 : i32
        %add3A_213 = arith.constant 1 : i32
        %add3A_214 = arith.addi %add3A_212, %add3A_213 : i32
        %dma_wait3A_215 = arith.constant 0 : i32
        %dma_wait3A_216 = arith.constant 0 : i32
        %dma_wait3A_217 = tpu.memref_slice %arg7[%dma_wait3A_215, %dma_wait3A_216] : memref<25x100xi32, #tpu.memory_space<vmem>> -> memref<1x100xi32, #tpu.memory_space<vmem>>
        %dma_wait3A_218 = tpu.memref_squeeze %dma_wait3A_217 : memref<1x100xi32, #tpu.memory_space<vmem>> -> memref<100xi32, #tpu.memory_space<vmem>>
        %dma_wait3A_219 = arith.constant 0 : i32
        %dma_wait3A_220 = arith.constant 0 : i32
        %dma_wait3A_221 = tpu.memref_slice %arg4[%dma_wait3A_219, %dma_wait3A_220] : memref<10000x128xf32, #tpu.memory_space<hbm>> -> memref<10000x128xf32, #tpu.memory_space<hbm>>
        tpu.wait_indirect_dma semaphore(%arg13 : memref<!tpu.dma_semaphore, #tpu.memory_space<semaphore_mem>>) src(%dma_wait3A_221 : memref<10000x128xf32, #tpu.memory_space<hbm>>) dst(%arg9 : memref<100x128xf32, #tpu.memory_space<vmem>>)
        %dma_start3A_222 = arith.constant 0 : i32
        %dma_start3A_223 = tpu.memref_slice %arg8[%add3A_214, %dma_start3A_222] : memref<25x100xi32, #tpu.memory_space<vmem>> -> memref<1x100xi32, #tpu.memory_space<vmem>>
        %dma_start3A_224 = tpu.memref_squeeze %dma_start3A_223 : memref<1x100xi32, #tpu.memory_space<vmem>> -> memref<100xi32, #tpu.memory_space<vmem>>
        %dma_start3A_225 = arith.constant 0 : i32
        %dma_start3A_226 = arith.constant 0 : i32
        %dma_start3A_227 = tpu.memref_slice %arg12[%dma_start3A_225, %dma_start3A_226] : memref<10112x128xf32, #tpu.memory_space<vmem_shared>> -> memref<10112x128xf32, #tpu.memory_space<vmem_shared>>
        tpu.enqueue_indirect_dma source(%arg9 : memref<100x128xf32, #tpu.memory_space<vmem>>) target(%dma_start3A_227 : memref<10112x128xf32, #tpu.memory_space<vmem_shared>>) offsets(%dma_start3A_224 : memref<100xi32, #tpu.memory_space<vmem>>) semaphore(%arg16 : memref<!tpu.dma_semaphore, #tpu.memory_space<semaphore_mem>>) {add = true}
        %dma_wait3A_228 = arith.constant 0 : i32
        %dma_wait3A_229 = arith.constant 0 : i32
        %dma_wait3A_230 = tpu.memref_slice %arg8[%dma_wait3A_228, %dma_wait3A_229] : memref<25x100xi32, #tpu.memory_space<vmem>> -> memref<1x100xi32, #tpu.memory_space<vmem>>
        %dma_wait3A_231 = tpu.memref_squeeze %dma_wait3A_230 : memref<1x100xi32, #tpu.memory_space<vmem>> -> memref<100xi32, #tpu.memory_space<vmem>>
        %dma_wait3A_232 = arith.constant 0 : i32
        %dma_wait3A_233 = arith.constant 0 : i32
        %dma_wait3A_234 = tpu.memref_slice %arg12[%dma_wait3A_232, %dma_wait3A_233] : memref<10112x128xf32, #tpu.memory_space<vmem_shared>> -> memref<10112x128xf32, #tpu.memory_space<vmem_shared>>
        tpu.wait_indirect_dma semaphore(%arg18 : memref<!tpu.dma_semaphore, #tpu.memory_space<semaphore_mem>>) src(%arg11 : memref<100x128xf32, #tpu.memory_space<vmem>>) dst(%dma_wait3A_234 : memref<10112x128xf32, #tpu.memory_space<vmem_shared>>)
        %add3A_235 = arith.constant 2 : i32
        %add3A_236 = arith.addi %add3A_214, %add3A_235 : i32
        %dma_start3A_237 = arith.constant 0 : i32
        %dma_start3A_238 = tpu.memref_slice %arg7[%add3A_236, %dma_start3A_237] : memref<25x100xi32, #tpu.memory_space<vmem>> -> memref<1x100xi32, #tpu.memory_space<vmem>>
        %dma_start3A_239 = tpu.memref_squeeze %dma_start3A_238 : memref<1x100xi32, #tpu.memory_space<vmem>> -> memref<100xi32, #tpu.memory_space<vmem>>
        %dma_start3A_240 = arith.constant 0 : i32
        %dma_start3A_241 = arith.constant 0 : i32
        %dma_start3A_242 = tpu.memref_slice %arg4[%dma_start3A_240, %dma_start3A_241] : memref<10000x128xf32, #tpu.memory_space<hbm>> -> memref<10000x128xf32, #tpu.memory_space<hbm>>
        tpu.enqueue_indirect_dma source(%dma_start3A_242 : memref<10000x128xf32, #tpu.memory_space<hbm>>) target(%arg11 : memref<100x128xf32, #tpu.memory_space<vmem>>) offsets(%dma_start3A_239 : memref<100xi32, #tpu.memory_space<vmem>>) semaphore(%arg15 : memref<!tpu.dma_semaphore, #tpu.memory_space<semaphore_mem>>)
      }
      %scan3A_62 = arith.constant 7 : i32
      %dma_wait3A_63 = arith.constant 0 : i32
      %dma_wait3A_64 = arith.constant 0 : i32
      %dma_wait3A_65 = tpu.memref_slice %arg7[%dma_wait3A_63, %dma_wait3A_64] : memref<25x100xi32, #tpu.memory_space<vmem>> -> memref<1x100xi32, #tpu.memory_space<vmem>>
      %dma_wait3A_66 = tpu.memref_squeeze %dma_wait3A_65 : memref<1x100xi32, #tpu.memory_space<vmem>> -> memref<100xi32, #tpu.memory_space<vmem>>
      %dma_wait3A_67 = arith.constant 0 : i32
      %dma_wait3A_68 = arith.constant 0 : i32
      %dma_wait3A_69 = tpu.memref_slice %arg4[%dma_wait3A_67, %dma_wait3A_68] : memref<10000x128xf32, #tpu.memory_space<hbm>> -> memref<10000x128xf32, #tpu.memory_space<hbm>>
      tpu.wait_indirect_dma semaphore(%arg14 : memref<!tpu.dma_semaphore, #tpu.memory_space<semaphore_mem>>) src(%dma_wait3A_69 : memref<10000x128xf32, #tpu.memory_space<hbm>>) dst(%arg10 : memref<100x128xf32, #tpu.memory_space<vmem>>)
      %dma_start3A_70 = arith.constant 22 : i32
      %dma_start3A_71 = arith.constant 0 : i32
      %dma_start3A_72 = tpu.memref_slice %arg8[%dma_start3A_70, %dma_start3A_71] : memref<25x100xi32, #tpu.memory_space<vmem>> -> memref<1x100xi32, #tpu.memory_space<vmem>>
      %dma_start3A_73 = tpu.memref_squeeze %dma_start3A_72 : memref<1x100xi32, #tpu.memory_space<vmem>> -> memref<100xi32, #tpu.memory_space<vmem>>
      %dma_start3A_74 = arith.constant 0 : i32
      %dma_start3A_75 = arith.constant 0 : i32
      %dma_start3A_76 = tpu.memref_slice %arg12[%dma_start3A_74, %dma_start3A_75] : memref<10112x128xf32, #tpu.memory_space<vmem_shared>> -> memref<10112x128xf32, #tpu.memory_space<vmem_shared>>
      tpu.enqueue_indirect_dma source(%arg10 : memref<100x128xf32, #tpu.memory_space<vmem>>) target(%dma_start3A_76 : memref<10112x128xf32, #tpu.memory_space<vmem_shared>>) offsets(%dma_start3A_73 : memref<100xi32, #tpu.memory_space<vmem>>) semaphore(%arg17 : memref<!tpu.dma_semaphore, #tpu.memory_space<semaphore_mem>>) {add = true}
      %dma_wait3A_77 = arith.constant 0 : i32
      %dma_wait3A_78 = arith.constant 0 : i32
      %dma_wait3A_79 = tpu.memref_slice %arg8[%dma_wait3A_77, %dma_wait3A_78] : memref<25x100xi32, #tpu.memory_space<vmem>> -> memref<1x100xi32, #tpu.memory_space<vmem>>
      %dma_wait3A_80 = tpu.memref_squeeze %dma_wait3A_79 : memref<1x100xi32, #tpu.memory_space<vmem>> -> memref<100xi32, #tpu.memory_space<vmem>>
      %dma_wait3A_81 = arith.constant 0 : i32
      %dma_wait3A_82 = arith.constant 0 : i32
      %dma_wait3A_83 = tpu.memref_slice %arg12[%dma_wait3A_81, %dma_wait3A_82] : memref<10112x128xf32, #tpu.memory_space<vmem_shared>> -> memref<10112x128xf32, #tpu.memory_space<vmem_shared>>
      tpu.wait_indirect_dma semaphore(%arg16 : memref<!tpu.dma_semaphore, #tpu.memory_space<semaphore_mem>>) src(%arg9 : memref<100x128xf32, #tpu.memory_space<vmem>>) dst(%dma_wait3A_83 : memref<10112x128xf32, #tpu.memory_space<vmem_shared>>)
      %dma_start3A_84 = arith.constant 24 : i32
      %dma_start3A_85 = arith.constant 0 : i32
      %dma_start3A_86 = tpu.memref_slice %arg7[%dma_start3A_84, %dma_start3A_85] : memref<25x100xi32, #tpu.memory_space<vmem>> -> memref<1x100xi32, #tpu.memory_space<vmem>>
      %dma_start3A_87 = tpu.memref_squeeze %dma_start3A_86 : memref<1x100xi32, #tpu.memory_space<vmem>> -> memref<100xi32, #tpu.memory_space<vmem>>
      %dma_start3A_88 = arith.constant 0 : i32
      %dma_start3A_89 = arith.constant 0 : i32
      %dma_start3A_90 = tpu.memref_slice %arg4[%dma_start3A_88, %dma_start3A_89] : memref<10000x128xf32, #tpu.memory_space<hbm>> -> memref<10000x128xf32, #tpu.memory_space<hbm>>
      tpu.enqueue_indirect_dma source(%dma_start3A_90 : memref<10000x128xf32, #tpu.memory_space<hbm>>) target(%arg9 : memref<100x128xf32, #tpu.memory_space<vmem>>) offsets(%dma_start3A_87 : memref<100xi32, #tpu.memory_space<vmem>>) semaphore(%arg13 : memref<!tpu.dma_semaphore, #tpu.memory_space<semaphore_mem>>)
      %dma_wait3A_91 = arith.constant 0 : i32
      %dma_wait3A_92 = arith.constant 0 : i32
      %dma_wait3A_93 = tpu.memref_slice %arg7[%dma_wait3A_91, %dma_wait3A_92] : memref<25x100xi32, #tpu.memory_space<vmem>> -> memref<1x100xi32, #tpu.memory_space<vmem>>
      %dma_wait3A_94 = tpu.memref_squeeze %dma_wait3A_93 : memref<1x100xi32, #tpu.memory_space<vmem>> -> memref<100xi32, #tpu.memory_space<vmem>>
      %dma_wait3A_95 = arith.constant 0 : i32
      %dma_wait3A_96 = arith.constant 0 : i32
      %dma_wait3A_97 = tpu.memref_slice %arg4[%dma_wait3A_95, %dma_wait3A_96] : memref<10000x128xf32, #tpu.memory_space<hbm>> -> memref<10000x128xf32, #tpu.memory_space<hbm>>
      tpu.wait_indirect_dma semaphore(%arg15 : memref<!tpu.dma_semaphore, #tpu.memory_space<semaphore_mem>>) src(%dma_wait3A_97 : memref<10000x128xf32, #tpu.memory_space<hbm>>) dst(%arg11 : memref<100x128xf32, #tpu.memory_space<vmem>>)
      %dma_start3A_98 = arith.constant 23 : i32
      %dma_start3A_99 = arith.constant 0 : i32
      %dma_start3A_100 = tpu.memref_slice %arg8[%dma_start3A_98, %dma_start3A_99] : memref<25x100xi32, #tpu.memory_space<vmem>> -> memref<1x100xi32, #tpu.memory_space<vmem>>
      %dma_start3A_101 = tpu.memref_squeeze %dma_start3A_100 : memref<1x100xi32, #tpu.memory_space<vmem>> -> memref<100xi32, #tpu.memory_space<vmem>>
      %dma_start3A_102 = arith.constant 0 : i32
      %dma_start3A_103 = arith.constant 0 : i32
      %dma_start3A_104 = tpu.memref_slice %arg12[%dma_start3A_102, %dma_start3A_103] : memref<10112x128xf32, #tpu.memory_space<vmem_shared>> -> memref<10112x128xf32, #tpu.memory_space<vmem_shared>>
      tpu.enqueue_indirect_dma source(%arg11 : memref<100x128xf32, #tpu.memory_space<vmem>>) target(%dma_start3A_104 : memref<10112x128xf32, #tpu.memory_space<vmem_shared>>) offsets(%dma_start3A_101 : memref<100xi32, #tpu.memory_space<vmem>>) semaphore(%arg18 : memref<!tpu.dma_semaphore, #tpu.memory_space<semaphore_mem>>) {add = true}
      %dma_wait3A_105 = arith.constant 0 : i32
      %dma_wait3A_106 = arith.constant 0 : i32
      %dma_wait3A_107 = tpu.memref_slice %arg8[%dma_wait3A_105, %dma_wait3A_106] : memref<25x100xi32, #tpu.memory_space<vmem>> -> memref<1x100xi32, #tpu.memory_space<vmem>>
      %dma_wait3A_108 = tpu.memref_squeeze %dma_wait3A_107 : memref<1x100xi32, #tpu.memory_space<vmem>> -> memref<100xi32, #tpu.memory_space<vmem>>
      %dma_wait3A_109 = arith.constant 0 : i32
      %dma_wait3A_110 = arith.constant 0 : i32
      %dma_wait3A_111 = tpu.memref_slice %arg12[%dma_wait3A_109, %dma_wait3A_110] : memref<10112x128xf32, #tpu.memory_space<vmem_shared>> -> memref<10112x128xf32, #tpu.memory_space<vmem_shared>>
      tpu.wait_indirect_dma semaphore(%arg17 : memref<!tpu.dma_semaphore, #tpu.memory_space<semaphore_mem>>) src(%arg10 : memref<100x128xf32, #tpu.memory_space<vmem>>) dst(%dma_wait3A_111 : memref<10112x128xf32, #tpu.memory_space<vmem_shared>>)
      %dma_wait3A_112 = arith.constant 0 : i32
      %dma_wait3A_113 = arith.constant 0 : i32
      %dma_wait3A_114 = tpu.memref_slice %arg7[%dma_wait3A_112, %dma_wait3A_113] : memref<25x100xi32, #tpu.memory_space<vmem>> -> memref<1x100xi32, #tpu.memory_space<vmem>>
      %dma_wait3A_115 = tpu.memref_squeeze %dma_wait3A_114 : memref<1x100xi32, #tpu.memory_space<vmem>> -> memref<100xi32, #tpu.memory_space<vmem>>
      %dma_wait3A_116 = arith.constant 0 : i32
      %dma_wait3A_117 = arith.constant 0 : i32
      %dma_wait3A_118 = tpu.memref_slice %arg4[%dma_wait3A_116, %dma_wait3A_117] : memref<10000x128xf32, #tpu.memory_space<hbm>> -> memref<10000x128xf32, #tpu.memory_space<hbm>>
      tpu.wait_indirect_dma semaphore(%arg13 : memref<!tpu.dma_semaphore, #tpu.memory_space<semaphore_mem>>) src(%dma_wait3A_118 : memref<10000x128xf32, #tpu.memory_space<hbm>>) dst(%arg9 : memref<100x128xf32, #tpu.memory_space<vmem>>)
      %dma_start3A_119 = arith.constant 24 : i32
      %dma_start3A_120 = arith.constant 0 : i32
      %dma_start3A_121 = tpu.memref_slice %arg8[%dma_start3A_119, %dma_start3A_120] : memref<25x100xi32, #tpu.memory_space<vmem>> -> memref<1x100xi32, #tpu.memory_space<vmem>>
      %dma_start3A_122 = tpu.memref_squeeze %dma_start3A_121 : memref<1x100xi32, #tpu.memory_space<vmem>> -> memref<100xi32, #tpu.memory_space<vmem>>
      %dma_start3A_123 = arith.constant 0 : i32
      %dma_start3A_124 = arith.constant 0 : i32
      %dma_start3A_125 = tpu.memref_slice %arg12[%dma_start3A_123, %dma_start3A_124] : memref<10112x128xf32, #tpu.memory_space<vmem_shared>> -> memref<10112x128xf32, #tpu.memory_space<vmem_shared>>
      tpu.enqueue_indirect_dma source(%arg9 : memref<100x128xf32, #tpu.memory_space<vmem>>) target(%dma_start3A_125 : memref<10112x128xf32, #tpu.memory_space<vmem_shared>>) offsets(%dma_start3A_122 : memref<100xi32, #tpu.memory_space<vmem>>) semaphore(%arg16 : memref<!tpu.dma_semaphore, #tpu.memory_space<semaphore_mem>>) {add = true}
      %dma_wait3A_126 = arith.constant 0 : i32
      %dma_wait3A_127 = arith.constant 0 : i32
      %dma_wait3A_128 = tpu.memref_slice %arg8[%dma_wait3A_126, %dma_wait3A_127] : memref<25x100xi32, #tpu.memory_space<vmem>> -> memref<1x100xi32, #tpu.memory_space<vmem>>
      %dma_wait3A_129 = tpu.memref_squeeze %dma_wait3A_128 : memref<1x100xi32, #tpu.memory_space<vmem>> -> memref<100xi32, #tpu.memory_space<vmem>>
      %dma_wait3A_130 = arith.constant 0 : i32
      %dma_wait3A_131 = arith.constant 0 : i32
      %dma_wait3A_132 = tpu.memref_slice %arg12[%dma_wait3A_130, %dma_wait3A_131] : memref<10112x128xf32, #tpu.memory_space<vmem_shared>> -> memref<10112x128xf32, #tpu.memory_space<vmem_shared>>
      tpu.wait_indirect_dma semaphore(%arg18 : memref<!tpu.dma_semaphore, #tpu.memory_space<semaphore_mem>>) src(%arg11 : memref<100x128xf32, #tpu.memory_space<vmem>>) dst(%dma_wait3A_132 : memref<10112x128xf32, #tpu.memory_space<vmem_shared>>)
      %dma_wait3A_133 = arith.constant 0 : i32
      %dma_wait3A_134 = arith.constant 0 : i32
      %dma_wait3A_135 = tpu.memref_slice %arg8[%dma_wait3A_133, %dma_wait3A_134] : memref<25x100xi32, #tpu.memory_space<vmem>> -> memref<1x100xi32, #tpu.memory_space<vmem>>
      %dma_wait3A_136 = tpu.memref_squeeze %dma_wait3A_135 : memref<1x100xi32, #tpu.memory_space<vmem>> -> memref<100xi32, #tpu.memory_space<vmem>>
      %dma_wait3A_137 = arith.constant 0 : i32
      %dma_wait3A_138 = arith.constant 0 : i32
      %dma_wait3A_139 = tpu.memref_slice %arg12[%dma_wait3A_137, %dma_wait3A_138] : memref<10112x128xf32, #tpu.memory_space<vmem_shared>> -> memref<10112x128xf32, #tpu.memory_space<vmem_shared>>
      tpu.wait_indirect_dma semaphore(%arg16 : memref<!tpu.dma_semaphore, #tpu.memory_space<semaphore_mem>>) src(%arg9 : memref<100x128xf32, #tpu.memory_space<vmem>>) dst(%dma_wait3A_139 : memref<10112x128xf32, #tpu.memory_space<vmem_shared>>)
    }
    %scan3A_11 = arith.constant 4 : i32
    %barrier3A_12 = arith.constant 0 : index
    tpu.barrier barrier_id(%barrier3A_12)
    %lt3A_13 = arith.constant 15 : i32
    %lt3A_14 = arith.cmpi slt, %arg1, %lt3A_13 : i32
    %convert_element_type3A_15 = arith.extui %lt3A_14 : i1 to i32
    %cond3A_16 = arith.constant 0 : i32
    %cond3A_17 = arith.cmpi ne, %convert_element_type3A_15, %cond3A_16 : i32
    scf.if %cond3A_17 {
      %mul3A_23 = arith.constant 632 : i32
      %mul3A_24 = arith.muli %arg1, %mul3A_23 : i32
      %mul3A_25 = arith.constant 632 : i32
      %mul3A_26 = arith.muli %arg1, %mul3A_25 : i32
      "tpu.region"() ({
        %run_scoped3A = tpu.sem_alloc : memref<!tpu.dma_semaphore, #tpu.memory_space<semaphore_mem>>
        %dma_start3A = arith.constant 0 : i32
        %dma_start3A_27 = tpu.memref_slice %arg6[%arg0, %mul3A_26, %dma_start3A] : memref<2x10000x128xf32, #tpu.memory_space<hbm>> -> memref<1x632x128xf32, #tpu.memory_space<hbm>>
        %dma_start3A_28 = tpu.memref_squeeze %dma_start3A_27 : memref<1x632x128xf32, #tpu.memory_space<hbm>> -> memref<632x128xf32, #tpu.memory_space<hbm>>
        %dma_start3A_29 = arith.constant 0 : i32
        %dma_start3A_30 = tpu.memref_slice %arg12[%mul3A_24, %dma_start3A_29] : memref<10112x128xf32, #tpu.memory_space<vmem_shared>> -> memref<632x128xf32, #tpu.memory_space<vmem_shared>>
        tpu.enqueue_dma source(%dma_start3A_30 : memref<632x128xf32, #tpu.memory_space<vmem_shared>>) target(%dma_start3A_28 : memref<632x128xf32, #tpu.memory_space<hbm>>) target_semaphore(%run_scoped3A : memref<!tpu.dma_semaphore, #tpu.memory_space<semaphore_mem>>)
        %dma_wait3A = arith.constant 0 : i32
        %dma_wait3A_31 = tpu.memref_slice %arg6[%arg0, %mul3A_26, %dma_wait3A] : memref<2x10000x128xf32, #tpu.memory_space<hbm>> -> memref<1x632x128xf32, #tpu.memory_space<hbm>>
        %dma_wait3A_32 = tpu.memref_squeeze %dma_wait3A_31 : memref<1x632x128xf32, #tpu.memory_space<hbm>> -> memref<632x128xf32, #tpu.memory_space<hbm>>
        %dma_wait3A_33 = arith.constant 0 : i32
        %dma_wait3A_34 = tpu.memref_slice %arg12[%mul3A_24, %dma_wait3A_33] : memref<10112x128xf32, #tpu.memory_space<vmem_shared>> -> memref<632x128xf32, #tpu.memory_space<vmem_shared>>
        tpu.wait_dma2 semaphore(%run_scoped3A : memref<!tpu.dma_semaphore, #tpu.memory_space<semaphore_mem>>) src(%dma_wait3A_34 : memref<632x128xf32, #tpu.memory_space<vmem_shared>>) dst(%dma_wait3A_32 : memref<632x128xf32, #tpu.memory_space<hbm>>)
        tpu.yield
      }) : () -> ()
    } else {
    }
    %eq3A_18 = arith.constant 15 : i32
    %eq3A_19 = arith.cmpi eq, %arg1, %eq3A_18 : i32
    %convert_element_type3A_20 = arith.extui %eq3A_19 : i1 to i32
    %cond3A_21 = arith.constant 0 : i32
    %cond3A_22 = arith.cmpi ne, %convert_element_type3A_20, %cond3A_21 : i32
    scf.if %cond3A_22 {
      "tpu.region"() ({
        %run_scoped3A = tpu.sem_alloc : memref<!tpu.dma_semaphore, #tpu.memory_space<semaphore_mem>>
        %dma_start3A = arith.constant 9480 : i32
        %dma_start3A_23 = arith.constant 0 : i32
        %dma_start3A_24 = tpu.memref_slice %arg6[%arg0, %dma_start3A, %dma_start3A_23] : memref<2x10000x128xf32, #tpu.memory_space<hbm>> -> memref<1x520x128xf32, #tpu.memory_space<hbm>>
        %dma_start3A_25 = tpu.memref_squeeze %dma_start3A_24 : memref<1x520x128xf32, #tpu.memory_space<hbm>> -> memref<520x128xf32, #tpu.memory_space<hbm>>
        %dma_start3A_26 = arith.constant 9480 : i32
        %dma_start3A_27 = arith.constant 0 : i32
        %dma_start3A_28 = tpu.memref_slice %arg12[%dma_start3A_26, %dma_start3A_27] : memref<10112x128xf32, #tpu.memory_space<vmem_shared>> -> memref<520x128xf32, #tpu.memory_space<vmem_shared>>
        tpu.enqueue_dma source(%dma_start3A_28 : memref<520x128xf32, #tpu.memory_space<vmem_shared>>) target(%dma_start3A_25 : memref<520x128xf32, #tpu.memory_space<hbm>>) target_semaphore(%run_scoped3A : memref<!tpu.dma_semaphore, #tpu.memory_space<semaphore_mem>>)
        %dma_wait3A = arith.constant 9480 : i32
        %dma_wait3A_29 = arith.constant 0 : i32
        %dma_wait3A_30 = tpu.memref_slice %arg6[%arg0, %dma_wait3A, %dma_wait3A_29] : memref<2x10000x128xf32, #tpu.memory_space<hbm>> -> memref<1x520x128xf32, #tpu.memory_space<hbm>>
        %dma_wait3A_31 = tpu.memref_squeeze %dma_wait3A_30 : memref<1x520x128xf32, #tpu.memory_space<hbm>> -> memref<520x128xf32, #tpu.memory_space<hbm>>
        %dma_wait3A_32 = arith.constant 9480 : i32
        %dma_wait3A_33 = arith.constant 0 : i32
        %dma_wait3A_34 = tpu.memref_slice %arg12[%dma_wait3A_32, %dma_wait3A_33] : memref<10112x128xf32, #tpu.memory_space<vmem_shared>> -> memref<520x128xf32, #tpu.memory_space<vmem_shared>>
        tpu.wait_dma2 semaphore(%run_scoped3A : memref<!tpu.dma_semaphore, #tpu.memory_space<semaphore_mem>>) src(%dma_wait3A_34 : memref<520x128xf32, #tpu.memory_space<vmem_shared>>) dst(%dma_wait3A_31 : memref<520x128xf32, #tpu.memory_space<hbm>>)
        tpu.yield
      }) : () -> ()
    } else {
    }
    return
  }
}

#map = affine_map<(d0, d1) -> (0, 0, 0, 0)>
#map1 = affine_map<(d0, d1) -> (0)>
module attributes {stable_mosaic.version = 14 : i64} {
  func.func @_deg_sc_body(%arg0: i32, %arg1: i32, %arg2: memref<32x4x25x100xi32, #tpu.memory_space<hbm>>, %arg3: memref<10240xf32, #tpu.memory_space<hbm>>, %arg4: memref<100xf32, #tpu.memory_space<hbm>>, %arg5: memref<20480xf32, #tpu.memory_space<hbm>>, %arg6: memref<25x100xi32, #tpu.memory_space<vmem>>, %arg7: memref<100xf32, #tpu.memory_space<vmem>>, %arg8: memref<10240xf32, #tpu.memory_space<vmem_shared>>, %arg9: memref<!tpu.dma_semaphore, #tpu.memory_space<semaphore_mem>>) attributes {dimension_semantics = [#tpu.dimension_semantics<core_parallel>, #tpu.dimension_semantics<subcore_parallel>], iteration_bounds = array<i64: 2, 16>, scalar_prefetch = 0 : i64, scratch_operands = 4 : i64, tpu.core_type = #tpu.core_type<sc_vector_subcore>, window_params = [{transform_indices = #map}, {transform_indices = #map1}, {transform_indices = #map1}, {transform_indices = #map1}]} {
    %mul3A = arith.constant 16 : i32
    %mul3A_0 = arith.muli %arg0, %mul3A : i32
    %add3A = arith.addi %mul3A_0, %arg1 : i32
    %mul3A_1 = arith.constant 640 : i32
    %mul3A_2 = arith.muli %arg1, %mul3A_1 : i32
    %mul3A_3 = arith.constant 640 : i32
    %mul3A_4 = arith.muli %arg1, %mul3A_3 : i32
    "tpu.region"() ({
      %run_scoped3A = tpu.sem_alloc : memref<!tpu.dma_semaphore, #tpu.memory_space<semaphore_mem>>
      %dma_start3A = tpu.memref_slice %arg8[%mul3A_4] : memref<10240xf32, #tpu.memory_space<vmem_shared>> -> memref<640xf32, #tpu.memory_space<vmem_shared>>
      %dma_start3A_18 = tpu.memref_slice %arg3[%mul3A_2] : memref<10240xf32, #tpu.memory_space<hbm>> -> memref<640xf32, #tpu.memory_space<hbm>>
      tpu.enqueue_dma source(%dma_start3A_18 : memref<640xf32, #tpu.memory_space<hbm>>) target(%dma_start3A : memref<640xf32, #tpu.memory_space<vmem_shared>>) target_semaphore(%run_scoped3A : memref<!tpu.dma_semaphore, #tpu.memory_space<semaphore_mem>>)
      %dma_wait3A = tpu.memref_slice %arg8[%mul3A_4] : memref<10240xf32, #tpu.memory_space<vmem_shared>> -> memref<640xf32, #tpu.memory_space<vmem_shared>>
      %dma_wait3A_19 = tpu.memref_slice %arg3[%mul3A_2] : memref<10240xf32, #tpu.memory_space<hbm>> -> memref<640xf32, #tpu.memory_space<hbm>>
      tpu.wait_dma2 semaphore(%run_scoped3A : memref<!tpu.dma_semaphore, #tpu.memory_space<semaphore_mem>>) src(%dma_wait3A_19 : memref<640xf32, #tpu.memory_space<hbm>>) dst(%dma_wait3A : memref<640xf32, #tpu.memory_space<vmem_shared>>)
      tpu.yield
    }) : () -> ()
    "tpu.region"() ({
      %run_scoped3A = tpu.sem_alloc : memref<!tpu.dma_semaphore, #tpu.memory_space<semaphore_mem>>
      tpu.enqueue_dma source(%arg4 : memref<100xf32, #tpu.memory_space<hbm>>) target(%arg7 : memref<100xf32, #tpu.memory_space<vmem>>) target_semaphore(%run_scoped3A : memref<!tpu.dma_semaphore, #tpu.memory_space<semaphore_mem>>)
      tpu.wait_dma2 semaphore(%run_scoped3A : memref<!tpu.dma_semaphore, #tpu.memory_space<semaphore_mem>>) src(%arg4 : memref<100xf32, #tpu.memory_space<hbm>>) dst(%arg7 : memref<100xf32, #tpu.memory_space<vmem>>)
      tpu.yield
    }) : () -> ()
    %barrier3A = arith.constant 0 : index
    tpu.barrier barrier_id(%barrier3A)
    %scan3A = arith.constant 0 : i32
    %scan3A_5 = arith.constant 0 : i32
    %scan3A_6 = arith.constant 4 : i32
    %scan3A_7 = arith.addi %scan3A_5, %scan3A_6 : i32
    %scan3A_8 = arith.constant 1 : i32
    scf.for %scan3A_18 = %scan3A_5 to %scan3A_7 step %scan3A_8  : i32 {
      "tpu.region"() ({
        %run_scoped3A = tpu.sem_alloc : memref<!tpu.dma_semaphore, #tpu.memory_space<semaphore_mem>>
        %dma_start3A = arith.constant 0 : i32
        %dma_start3A_31 = arith.constant 0 : i32
        %dma_start3A_32 = tpu.memref_slice %arg2[%add3A, %scan3A_18, %dma_start3A, %dma_start3A_31] : memref<32x4x25x100xi32, #tpu.memory_space<hbm>> -> memref<1x1x25x100xi32, #tpu.memory_space<hbm>>
        %dma_start3A_33 = tpu.memref_squeeze %dma_start3A_32 : memref<1x1x25x100xi32, #tpu.memory_space<hbm>> -> memref<25x100xi32, #tpu.memory_space<hbm>>
        %dma_start3A_34 = arith.constant 0 : i32
        %dma_start3A_35 = arith.constant 0 : i32
        %dma_start3A_36 = tpu.memref_slice %arg2[%add3A, %scan3A_18, %dma_start3A_34, %dma_start3A_35] : memref<32x4x25x100xi32, #tpu.memory_space<hbm>> -> memref<1x1x25x100xi32, #tpu.memory_space<hbm>>
        %dma_start3A_37 = tpu.memref_squeeze %dma_start3A_36 : memref<1x1x25x100xi32, #tpu.memory_space<hbm>> -> memref<25x100xi32, #tpu.memory_space<hbm>>
        tpu.enqueue_dma source(%dma_start3A_37 : memref<25x100xi32, #tpu.memory_space<hbm>>) target(%arg6 : memref<25x100xi32, #tpu.memory_space<vmem>>) target_semaphore(%run_scoped3A : memref<!tpu.dma_semaphore, #tpu.memory_space<semaphore_mem>>)
        %dma_wait3A = arith.constant 0 : i32
        %dma_wait3A_38 = arith.constant 0 : i32
        %dma_wait3A_39 = tpu.memref_slice %arg2[%add3A, %scan3A_18, %dma_wait3A, %dma_wait3A_38] : memref<32x4x25x100xi32, #tpu.memory_space<hbm>> -> memref<1x1x25x100xi32, #tpu.memory_space<hbm>>
        %dma_wait3A_40 = tpu.memref_squeeze %dma_wait3A_39 : memref<1x1x25x100xi32, #tpu.memory_space<hbm>> -> memref<25x100xi32, #tpu.memory_space<hbm>>
        %dma_wait3A_41 = arith.constant 0 : i32
        %dma_wait3A_42 = arith.constant 0 : i32
        %dma_wait3A_43 = tpu.memref_slice %arg2[%add3A, %scan3A_18, %dma_wait3A_41, %dma_wait3A_42] : memref<32x4x25x100xi32, #tpu.memory_space<hbm>> -> memref<1x1x25x100xi32, #tpu.memory_space<hbm>>
        %dma_wait3A_44 = tpu.memref_squeeze %dma_wait3A_43 : memref<1x1x25x100xi32, #tpu.memory_space<hbm>> -> memref<25x100xi32, #tpu.memory_space<hbm>>
        tpu.wait_dma2 semaphore(%run_scoped3A : memref<!tpu.dma_semaphore, #tpu.memory_space<semaphore_mem>>) src(%dma_wait3A_44 : memref<25x100xi32, #tpu.memory_space<hbm>>) dst(%arg6 : memref<25x100xi32, #tpu.memory_space<vmem>>)
        tpu.yield
      }) : () -> ()
      %scan3A_19 = arith.constant 0 : i32
      %scan3A_20 = arith.constant 0 : i32
      %scan3A_21 = arith.constant 25 : i32
      %scan3A_22 = arith.addi %scan3A_20, %scan3A_21 : i32
      %scan3A_23 = arith.constant 1 : i32
      scf.for %scan3A_31 = %scan3A_20 to %scan3A_22 step %scan3A_23  : i32 {
        %dma_start3A = arith.constant 0 : i32
        %dma_start3A_32 = tpu.memref_slice %arg6[%scan3A_31, %dma_start3A] : memref<25x100xi32, #tpu.memory_space<vmem>> -> memref<1x100xi32, #tpu.memory_space<vmem>>
        %dma_start3A_33 = tpu.memref_squeeze %dma_start3A_32 : memref<1x100xi32, #tpu.memory_space<vmem>> -> memref<100xi32, #tpu.memory_space<vmem>>
        %dma_start3A_34 = arith.constant 0 : i32
        %dma_start3A_35 = tpu.memref_slice %arg8[%dma_start3A_34] : memref<10240xf32, #tpu.memory_space<vmem_shared>> -> memref<10240xf32, #tpu.memory_space<vmem_shared>>
        tpu.enqueue_indirect_dma source(%arg7 : memref<100xf32, #tpu.memory_space<vmem>>) target(%dma_start3A_35 : memref<10240xf32, #tpu.memory_space<vmem_shared>>) offsets(%dma_start3A_33 : memref<100xi32, #tpu.memory_space<vmem>>) semaphore(%arg9 : memref<!tpu.dma_semaphore, #tpu.memory_space<semaphore_mem>>) {add = true}
      }
      %scan3A_24 = arith.constant 25 : i32
      %scan3A_25 = arith.constant 0 : i32
      %scan3A_26 = arith.constant 0 : i32
      %scan3A_27 = arith.constant 25 : i32
      %scan3A_28 = arith.addi %scan3A_26, %scan3A_27 : i32
      %scan3A_29 = arith.constant 1 : i32
      scf.for %scan3A_31 = %scan3A_26 to %scan3A_28 step %scan3A_29  : i32 {
        %dma_wait3A = arith.constant 0 : i32
        %dma_wait3A_32 = arith.constant 0 : i32
        %dma_wait3A_33 = tpu.memref_slice %arg6[%dma_wait3A, %dma_wait3A_32] : memref<25x100xi32, #tpu.memory_space<vmem>> -> memref<1x100xi32, #tpu.memory_space<vmem>>
        %dma_wait3A_34 = tpu.memref_squeeze %dma_wait3A_33 : memref<1x100xi32, #tpu.memory_space<vmem>> -> memref<100xi32, #tpu.memory_space<vmem>>
        %dma_wait3A_35 = arith.constant 0 : i32
        %dma_wait3A_36 = tpu.memref_slice %arg8[%dma_wait3A_35] : memref<10240xf32, #tpu.memory_space<vmem_shared>> -> memref<10240xf32, #tpu.memory_space<vmem_shared>>
        tpu.wait_indirect_dma semaphore(%arg9 : memref<!tpu.dma_semaphore, #tpu.memory_space<semaphore_mem>>) src(%arg7 : memref<100xf32, #tpu.memory_space<vmem>>) dst(%dma_wait3A_36 : memref<10240xf32, #tpu.memory_space<vmem_shared>>)
      }
      %scan3A_30 = arith.constant 25 : i32
    }
    %scan3A_9 = arith.constant 4 : i32
    %barrier3A_10 = arith.constant 0 : index
    tpu.barrier barrier_id(%barrier3A_10)
    %mul3A_11 = arith.constant 640 : i32
    %mul3A_12 = arith.muli %arg1, %mul3A_11 : i32
    %mul3A_13 = arith.constant 10240 : i32
    %mul3A_14 = arith.muli %arg0, %mul3A_13 : i32
    %mul3A_15 = arith.constant 640 : i32
    %mul3A_16 = arith.muli %arg1, %mul3A_15 : i32
    %add3A_17 = arith.addi %mul3A_14, %mul3A_16 : i32
    "tpu.region"() ({
      %run_scoped3A = tpu.sem_alloc : memref<!tpu.dma_semaphore, #tpu.memory_space<semaphore_mem>>
      %dma_start3A = tpu.memref_slice %arg5[%add3A_17] : memref<20480xf32, #tpu.memory_space<hbm>> -> memref<640xf32, #tpu.memory_space<hbm>>
      %dma_start3A_18 = tpu.memref_slice %arg8[%mul3A_12] : memref<10240xf32, #tpu.memory_space<vmem_shared>> -> memref<640xf32, #tpu.memory_space<vmem_shared>>
      tpu.enqueue_dma source(%dma_start3A_18 : memref<640xf32, #tpu.memory_space<vmem_shared>>) target(%dma_start3A : memref<640xf32, #tpu.memory_space<hbm>>) target_semaphore(%run_scoped3A : memref<!tpu.dma_semaphore, #tpu.memory_space<semaphore_mem>>)
      %dma_wait3A = tpu.memref_slice %arg5[%add3A_17] : memref<20480xf32, #tpu.memory_space<hbm>> -> memref<640xf32, #tpu.memory_space<hbm>>
      %dma_wait3A_19 = tpu.memref_slice %arg8[%mul3A_12] : memref<10240xf32, #tpu.memory_space<vmem_shared>> -> memref<640xf32, #tpu.memory_space<vmem_shared>>
      tpu.wait_dma2 semaphore(%run_scoped3A : memref<!tpu.dma_semaphore, #tpu.memory_space<semaphore_mem>>) src(%dma_wait3A_19 : memref<640xf32, #tpu.memory_space<vmem_shared>>) dst(%dma_wait3A : memref<640xf32, #tpu.memory_space<hbm>>)
      tpu.yield
    }) : () -> ()
    return
  }
}

module attributes {stable_mosaic.version = 14 : i64} {
  func.func @_mm_body(%arg0: memref<10000x128xf32, #tpu.memory_space<vmem>>, %arg1: memref<128x128xf32, #tpu.memory_space<vmem>>, %arg2: memref<10000x2xf32, #tpu.memory_space<vmem>>, %arg3: memref<10000x128xf32, #tpu.memory_space<vmem>>) attributes {dimension_semantics = [], scalar_prefetch = 0 : i64, scratch_operands = 0 : i64, tpu.core_type = #tpu.core_type<tc>} {
    %get3A = arith.constant 0 : index
    %get3A_0 = arith.constant 0 : index
    %get3A_1 = vector.load %arg0[%get3A, %get3A_0] : memref<10000x128xf32, #tpu.memory_space<vmem>>, vector<10000x128xf32>
    %get3A_2 = arith.constant 0 : index
    %get3A_3 = arith.constant 0 : index
    %get3A_4 = vector.load %arg1[%get3A_2, %get3A_3] : memref<128x128xf32, #tpu.memory_space<vmem>>, vector<128x128xf32>
    %dot_general3A = arith.constant dense<0.000000e+00> : vector<10000x128xf32>
    %dot_general3A_5 = tpu.matmul %get3A_1, %get3A_4, %dot_general3A {dimension_numbers = #tpu.dot_dimension_numbers<[1], [0], [0], [1], [0, 0, 1, 1], [], []>, transpose_lhs_hint = false} : vector<10000x128xf32>, vector<128x128xf32>, vector<10000x128xf32> -> vector<10000x128xf32>
    %get3A_6 = arith.constant 0 : index
    %get3A_7 = arith.constant 0 : index
    %get3A_8 = vector.load %arg2[%get3A_6, %get3A_7] : memref<10000x2xf32, #tpu.memory_space<vmem>>, vector<10000x1xf32>
    %get3A_9 = vector.shape_cast %get3A_8 : vector<10000x1xf32> to vector<10000xf32>
    %add3A = arith.constant 1.000000e+00 : f32
    %add3A_10 = vector.broadcast %add3A : f32 to vector<10000xf32>
    %add3A_11 = arith.addf %add3A_10, %get3A_9 : vector<10000xf32>
    %get3A_12 = arith.constant 0 : index
    %get3A_13 = arith.constant 1 : index
    %get3A_14 = vector.load %arg2[%get3A_12, %get3A_13] : memref<10000x2xf32, #tpu.memory_space<vmem>>, vector<10000x1xf32>
    %get3A_15 = vector.shape_cast %get3A_14 : vector<10000x1xf32> to vector<10000xf32>
    %add3A_16 = arith.addf %add3A_11, %get3A_15 : vector<10000xf32>
    %rsqrt3A = math.rsqrt %add3A_16 : vector<10000xf32>
    %broadcast_in_dim3A = vector.shape_cast %rsqrt3A : vector<10000xf32> to vector<10000x1xf32>
    %mul3A = vector.broadcast %broadcast_in_dim3A : vector<10000x1xf32> to vector<10000x128xf32>
    %mul3A_17 = arith.mulf %dot_general3A_5, %mul3A : vector<10000x128xf32>
    %swap3A = arith.constant 0 : index
    %swap3A_18 = arith.constant 0 : index
    %swap3A_19 = vector.load %arg3[%swap3A, %swap3A_18] : memref<10000x128xf32, #tpu.memory_space<vmem>>, vector<10000x128xf32>
    tpu.vector_store %arg3[%swap3A, %swap3A_18], %mul3A_17 {strides = array<i32>} : memref<10000x128xf32, #tpu.memory_space<vmem>>, vector<10000x128xf32>,
    return
  }
}

module attributes {stable_mosaic.version = 14 : i64} {
  func.func @_bn_body(%arg0: memref<2x10000x128xf32, #tpu.memory_space<vmem>>, %arg1: memref<10000x128xf32, #tpu.memory_space<vmem>>, %arg2: memref<10000x2xf32, #tpu.memory_space<vmem>>, %arg3: memref<1x128xf32, #tpu.memory_space<vmem>>, %arg4: memref<1x128xf32, #tpu.memory_space<vmem>>, %arg5: memref<10000x128xf32, #tpu.memory_space<vmem>>) attributes {dimension_semantics = [], scalar_prefetch = 0 : i64, scratch_operands = 0 : i64, tpu.core_type = #tpu.core_type<tc>} {
    %get3A = arith.constant 0 : index
    %get3A_0 = arith.constant 0 : index
    %get3A_1 = arith.constant 0 : index
    %get3A_2 = vector.load %arg0[%get3A, %get3A_0, %get3A_1] : memref<2x10000x128xf32, #tpu.memory_space<vmem>>, vector<1x10000x128xf32>
    %get3A_3 = vector.shape_cast %get3A_2 : vector<1x10000x128xf32> to vector<10000x128xf32>
    %get3A_4 = arith.constant 1 : index
    %get3A_5 = arith.constant 0 : index
    %get3A_6 = arith.constant 0 : index
    %get3A_7 = vector.load %arg0[%get3A_4, %get3A_5, %get3A_6] : memref<2x10000x128xf32, #tpu.memory_space<vmem>>, vector<1x10000x128xf32>
    %get3A_8 = vector.shape_cast %get3A_7 : vector<1x10000x128xf32> to vector<10000x128xf32>
    %add3A = arith.addf %get3A_3, %get3A_8 : vector<10000x128xf32>
    %get3A_9 = arith.constant 0 : index
    %get3A_10 = arith.constant 0 : index
    %get3A_11 = vector.load %arg1[%get3A_9, %get3A_10] : memref<10000x128xf32, #tpu.memory_space<vmem>>, vector<10000x128xf32>
    %add3A_12 = arith.addf %add3A, %get3A_11 : vector<10000x128xf32>
    %get3A_13 = arith.constant 0 : index
    %get3A_14 = arith.constant 0 : index
    %get3A_15 = vector.load %arg2[%get3A_13, %get3A_14] : memref<10000x2xf32, #tpu.memory_space<vmem>>, vector<10000x1xf32>
    %get3A_16 = vector.shape_cast %get3A_15 : vector<10000x1xf32> to vector<10000xf32>
    %add3A_17 = arith.constant 1.000000e+00 : f32
    %add3A_18 = vector.broadcast %add3A_17 : f32 to vector<10000xf32>
    %add3A_19 = arith.addf %add3A_18, %get3A_16 : vector<10000xf32>
    %get3A_20 = arith.constant 0 : index
    %get3A_21 = arith.constant 1 : index
    %get3A_22 = vector.load %arg2[%get3A_20, %get3A_21] : memref<10000x2xf32, #tpu.memory_space<vmem>>, vector<10000x1xf32>
    %get3A_23 = vector.shape_cast %get3A_22 : vector<10000x1xf32> to vector<10000xf32>
    %add3A_24 = arith.addf %add3A_19, %get3A_23 : vector<10000xf32>
    %rsqrt3A = math.rsqrt %add3A_24 : vector<10000xf32>
    %broadcast_in_dim3A = vector.shape_cast %rsqrt3A : vector<10000xf32> to vector<10000x1xf32>
    %mul3A = vector.broadcast %broadcast_in_dim3A : vector<10000x1xf32> to vector<10000x128xf32>
    %mul3A_25 = arith.mulf %add3A_12, %mul3A : vector<10000x128xf32>
    %reduce_sum3A = arith.constant dense<0.000000e+00> : vector<128xf32>
    %reduce_sum3A_26 = vector.multi_reduction <add>, %mul3A_25, %reduce_sum3A [0] : vector<10000x128xf32> to vector<128xf32>
    %broadcast_in_dim3A_27 = vector.shape_cast %reduce_sum3A_26 : vector<128xf32> to vector<1x128xf32>
    %mul3A_28 = arith.constant 9.99999974E-5 : f32
    %mul3A_29 = vector.broadcast %mul3A_28 : f32 to vector<1x128xf32>
    %mul3A_30 = arith.mulf %broadcast_in_dim3A_27, %mul3A_29 : vector<1x128xf32>
    %mul3A_31 = arith.mulf %mul3A_25, %mul3A_25 : vector<10000x128xf32>
    %reduce_sum3A_32 = arith.constant dense<0.000000e+00> : vector<128xf32>
    %reduce_sum3A_33 = vector.multi_reduction <add>, %mul3A_31, %reduce_sum3A_32 [0] : vector<10000x128xf32> to vector<128xf32>
    %broadcast_in_dim3A_34 = vector.shape_cast %reduce_sum3A_33 : vector<128xf32> to vector<1x128xf32>
    %mul3A_35 = arith.constant 9.99999974E-5 : f32
    %mul3A_36 = vector.broadcast %mul3A_35 : f32 to vector<1x128xf32>
    %mul3A_37 = arith.mulf %broadcast_in_dim3A_34, %mul3A_36 : vector<1x128xf32>
    %mul3A_38 = arith.mulf %mul3A_30, %mul3A_30 : vector<1x128xf32>
    %sub3A = arith.subf %mul3A_37, %mul3A_38 : vector<1x128xf32>
    %add3A_39 = arith.constant 9.99999974E-6 : f32
    %add3A_40 = vector.broadcast %add3A_39 : f32 to vector<1x128xf32>
    %add3A_41 = arith.addf %sub3A, %add3A_40 : vector<1x128xf32>
    %rsqrt3A_42 = math.rsqrt %add3A_41 : vector<1x128xf32>
    %get3A_43 = arith.constant 0 : index
    %get3A_44 = arith.constant 0 : index
    %get3A_45 = vector.load %arg3[%get3A_43, %get3A_44] : memref<1x128xf32, #tpu.memory_space<vmem>>, vector<1x128xf32>
    %mul3A_46 = arith.mulf %rsqrt3A_42, %get3A_45 : vector<1x128xf32>
    %get3A_47 = arith.constant 0 : index
    %get3A_48 = arith.constant 0 : index
    %get3A_49 = vector.load %arg4[%get3A_47, %get3A_48] : memref<1x128xf32, #tpu.memory_space<vmem>>, vector<1x128xf32>
    %mul3A_50 = arith.mulf %mul3A_30, %mul3A_46 : vector<1x128xf32>
    %sub3A_51 = arith.subf %get3A_49, %mul3A_50 : vector<1x128xf32>
    %mul3A_52 = vector.broadcast %mul3A_46 : vector<1x128xf32> to vector<10000x128xf32>
    %mul3A_53 = arith.mulf %mul3A_25, %mul3A_52 : vector<10000x128xf32>
    %add3A_54 = vector.broadcast %sub3A_51 : vector<1x128xf32> to vector<10000x128xf32>
    %add3A_55 = arith.addf %mul3A_53, %add3A_54 : vector<10000x128xf32>
    %max3A = arith.constant 0.000000e+00 : f32
    %max3A_56 = vector.broadcast %max3A : f32 to vector<10000x128xf32>
    %max3A_57 = arith.maximumf %add3A_55, %max3A_56 : vector<10000x128xf32>
    %swap3A = arith.constant 0 : index
    %swap3A_58 = arith.constant 0 : index
    %swap3A_59 = vector.load %arg5[%swap3A, %swap3A_58] : memref<10000x128xf32, #tpu.memory_space<vmem>>, vector<10000x128xf32>
    tpu.vector_store %arg5[%swap3A, %swap3A_58], %max3A_57 {strides = array<i32>} : memref<10000x128xf32, #tpu.memory_space<vmem>>, vector<10000x128xf32>,
    return
  }
}

</mosaic_0001>

<sc_bundles>
// kernel: kernel.6.cloned.1.call-start
scs
__scs_entry_jumppad:
0x0: {  	(pc) =	sbr.rel $0x88, $3  }
0x1: {  	(tag) =	ssettag $0x0;
	lr =	simm.s32 $0x1  }
0x2: {  	[smem:$0x3F9C] =	sst lr;
	_ =	strace $0xD0000000  }
0x3: {  	_ = 	snop  }
0x4: {  	_ = 	snop  }
0x5: {  	_ = 	snop  }
0x6: {  	_ = 	snop  }
0x7: {  	_ = 	snop  }
__scs_overlays_trampoline_lowered:
0x8: {  	[smem:$0x3FAB] =	sst s0  }
0x9: {  	[smem:$0x3FAC] =	sst s1  }
0xa: {  	[smem:$0x3FAD] =	sst s2  }
0xb: {  	[smem:$0x3FAE] =	sst s3  }
0xc: {  	[smem:$0x3FAF] =	sst s4  }
0xd: {  	[smem:$0x3FB0] =	sst s5  }
0xe: {  	[smem:$0x3FB1] =	sst s6  }
0xf: {  	[smem:$0x3FB2] =	sst s7  }
0x10: {  	[smem:$0x3FB3] =	sst s8  }
0x11: {  	[smem:$0x3FB4] =	sst s9;
	s0 =	simm.s32 @!p0 $0x0  }
0x12: {  	s1 =	sld [smem:$0x3F9A];
	s0 =	simm.s32 @p0 $0x1  }
0x13: {  	[smem:$0x3FB5] =	sst s0;
	s0 =	simm.s32 @!p1 $0x0  }
0x14: {  	s2 =	sld [smem:$0x3F99];
	s0 =	simm.s32 @p1 $0x1  }
0x15: {  	[smem:$0x3FB6] =	sst s0;
	s0 =	simm.s32 @!p2 $0x0  }
0x16: {  	s3 =	sld [smem:$0x3FDB];
	s0 =	simm.s32 @p2 $0x1  }
0x17: {  	s4 =	simm.s32 $0x1BF5;
	[smem:$0x3FB8] =	sst s0  }
0x18: {  	s0 =	sld [smem:$0x3F9B];
	_ =	swait.ge [sflag:s4], $0x0  }
0x19: {  	s7 =	sld [smem:$0x3F9C]  }
0x1a: {  	s8 =	sadd.s32 $0xFFFFE003, lr  }
0x1b: {  	s9 =	sadd.s32 $0xFFFFFEF7, lr;
	s5 =	simm.s32 $0xFFFFFFFF;
	p2 =	slt.u32 s8, $0xFFFFF086  }
0x1c: {  	p1 =	slt.u32 s9, $0xF7A;
	s5 =	simm.s32 @!p2 $0x0  }
0x1d: {  	s5 =	simm.s32 @p1 $0x1;
	p0 =	seq.s32 s7, s2  }
0x1e: {  	s7 =	smul.u32 @!p0 $0xF7A, s2;
	p2 =	seq.s32 @!p0 s5, $0x0  }
0x1f: {  	s9 =	smul.u32 $0xF7A, s1;
	s8 =	simm.s32 @!p0 $0x1BF5;
	p2 =	por !p2, p0  }
0x20: {  	[sflag:s8] =	ssyncset.s32 @!p0 $0xFFFFF086;
	s6 =	sadd.s32 @!p0 s3, s7;
	s7 =	simm.s32 @!p0 $0x108  }
0x21: {  	s3 =	sadd.s32 s3, s9;
	s6 =	sadd.s32 @!p0 $0x88, s6;
	s7 =	simm.s32 @p2 $0x1082  }
0x22: {  	[simem:s7], [sflag:s8] =	dma.local @!p0 [hbm:s6], $0xF7A  }
0x23: {  	s9 =	sor.u32 $0xD0000000, s2;
	s6 =	simm.s32 $0x108;
	_ =	swait.ge @!p0 [sflag:s8], $0x0  }
0x24: {  	s3 =	sadd.s32 $0x88, s3;
	s6 =	simm.s32 @!p1 $0x1082;
	[sflag:s4] =	ssyncset.s32 $0xFFFFF086  }
0x25: {  	[simem:s6], [sflag:s4] =	dma.local [hbm:s3], $0xF7A  }
0x26: {  	[smem:$0x3F9C] =	sst s1;
	(tag) =	ssettag s2;
	_ =	strace s9  }
0x27: {  	s1 =	sld [smem:$0x3FAC]  }
0x28: {  	s2 =	sld [smem:$0x3FAD]  }
0x29: {  	s4 =	sld [smem:$0x3FAF]  }
0x2a: {  	p0 =	seq.s32 s5, $0x0;
	s5 =	sld [smem:$0x3FB0]  }
0x2b: {  	s6 =	sld [smem:$0x3FB1]  }
0x2c: {  	s7 =	sld [smem:$0x3FB2]  }
0x2d: {  	s3 =	simm.s32 $0x108;
	s8 =	sld [smem:$0x3FB3]  }
0x2e: {  	s3 =	simm.s32 @!p0 $0x1082;
	s9 =	sld [smem:$0x3FB4]  }
0x2f: {  	lr =	sadd.s32 s0, s3;
	s0 =	sld [smem:$0x3FAB]  }
0x30: {  	s3 =	sld [smem:$0x3FAE]  }
0x31: {  	[smem:$0x3FB7] =	sst s10  }
0x32: {  	s10 =	sld [smem:$0x3FB5];
	_ =	sdelay $0x3  }
0x33: {  	p0 =	seq.s32 s10, $0x1;
	s10 =	sld [smem:$0x3FB7];
	_ =	sdelay $0x3  }
0x34: {  	[smem:$0x3FB7] =	sst s10  }
0x35: {  	s10 =	sld [smem:$0x3FB6];
	_ =	sdelay $0x3  }
0x36: {  	p1 =	seq.s32 s10, $0x1;
	s10 =	sld [smem:$0x3FB7];
	_ =	sdelay $0x3  }
0x37: {  	[smem:$0x3FB7] =	sst s10  }
0x38: {  	s10 =	sld [smem:$0x3FB8]  }
0x39: {  	_ = 	snop;
	(pc) =	sbr.ind lr, $3  }
0x3a: {  	_ = 	snop  }
0x3b: {  	_ = 	snop  }
0x3c: {  	p2 =	seq.s32 s10, $0x1;
	s10 =	sld [smem:$0x3FB7]  }
0x3d: {  	_ =	shalt  }
0x3e: {  	_ =	shalt  }
0x3f: {  	_ =	shalt  }
0x40: {  	_ =	shalt  }
0x41: {  	_ =	shalt  }
0x42: {  	_ =	shalt  }
0x43: {  	_ =	shalt  }
0x44: {  	_ =	shalt  }
0x45: {  	_ =	shalt  }
0x46: {  	_ =	shalt  }
0x47: {  	_ =	shalt  }
0x48: {  	_ =	shalt  }
0x49: {  	_ =	shalt  }
0x4a: {  	_ =	shalt  }
0x4b: {  	_ =	shalt  }
0x4c: {  	_ =	shalt  }
0x4d: {  	_ =	shalt  }
0x4e: {  	_ =	shalt  }
0x4f: {  	_ =	shalt  }
0x50: {  	_ =	shalt  }
0x51: {  	_ =	shalt  }
0x52: {  	_ =	shalt  }
0x53: {  	_ =	shalt  }
0x54: {  	_ =	shalt  }
0x55: {  	_ =	shalt  }
0x56: {  	_ =	shalt  }
0x57: {  	_ =	shalt  }
0x58: {  	_ =	shalt  }
0x59: {  	_ =	shalt  }
0x5a: {  	_ =	shalt  }
0x5b: {  	_ =	shalt  }
0x5c: {  	_ =	shalt  }
0x5d: {  	_ =	shalt  }
0x5e: {  	_ =	shalt  }
0x5f: {  	_ =	shalt  }
0x60: {  	_ =	shalt  }
0x61: {  	_ =	shalt  }
0x62: {  	_ =	shalt  }
0x63: {  	_ =	shalt  }
0x64: {  	_ =	shalt  }
0x65: {  	_ =	shalt  }
0x66: {  	_ =	shalt  }
0x67: {  	_ =	shalt  }
0x68: {  	_ =	shalt  }
0x69: {  	_ =	shalt  }
0x6a: {  	_ =	shalt  }
0x6b: {  	_ =	shalt  }
0x6c: {  	_ =	shalt  }
0x6d: {  	_ =	shalt  }
0x6e: {  	_ =	shalt  }
0x6f: {  	_ =	shalt  }
0x70: {  	_ =	shalt  }
0x71: {  	_ =	shalt  }
0x72: {  	_ =	shalt  }
0x73: {  	_ =	shalt  }
0x74: {  	_ =	shalt  }
0x75: {  	_ =	shalt  }
0x76: {  	_ =	shalt  }
0x77: {  	_ =	shalt  }
0x78: {  	_ =	shalt  }
0x79: {  	_ =	shalt  }
0x7a: {  	_ =	shalt  }
0x7b: {  	_ =	shalt  }
0x7c: {  	_ =	shalt  }
0x7d: {  	_ =	shalt  }
0x7e: {  	_ =	shalt  }
0x7f: {  	_ =	shalt  }
0x80: {  	_ =	shalt  }
0x81: {  	_ =	shalt  }
0x82: {  	_ =	shalt  }
0x83: {  	_ =	shalt  }
0x84: {  	_ =	shalt  }
0x85: {  	_ =	shalt  }
0x86: {  	_ =	shalt  }
0x87: {  	_ =	shalt  }
.Lfunc_end0:
.L_simem_size_0:
called_computation_lowered:
.L_overlay_start_0:
0x88: {  	s2 =	sld [smem:$0x3FD9]  }
0x89: {  	s3 =	sld [smem:$0x3FFE];
	_ =	sdelay $0x1  }
0x8a: {  	s1 =	srdreg.scid  }
0x8b: {  	s0 =	sand.u32 $0x1, s1  }
0x8c: {  	s17 =	sshll.u32 s0, $0xA;
	s2 =	sadd.s32 s3, s2  }
0x8d: {  	s2 =	sadd.s32 s2, s17  }
0x8e: {  	[smem:$0x3FC3] =	sst s2  }
0x8f: {  	_ = 	snop  }
0x90: {  	s2 =	sld [smem:$0x3FD0];
	(tm) =	ssettm $0x1  }
0x91: {  	s18 =	sld [smem:$0x3FFB];
	_ =	sdelay $0x3  }
0x92: {  	_ =	strace s18  }
0x93: {  	s3 =	sld [smem:$0x3FFC];
	_ =	sdelay $0x3  }
0x94: {  	_ =	strace s3  }
0x95: {  	s3 =	sld [smem:$0x3FFD];
	_ =	sdelay $0x3  }
0x96: {  	_ =	strace s3  }
0x97: {  	_ =	strace $0x8FFFFFFF  }
0x98: {  	s19 =	sld [smem:$0x3FDB];
	_ =	sdelay $0x1  }
0x99: {  	s4 =	simm.s32 $_scs_section_size  }
0x9a: {  	s5 =	simm.s32 $_size__tile_overlayer_lowered;
	s6 =	simm.s32 $_tile_overlayer_lowered  }
0x9b: {  	s22 =	simm.s32 $0x1BFF;
	s21 =	sshll.u32 s6, $0x1;
	s3 =	sadd.s32 s4, s19  }
0x9c: {  	s7 =	simm.s32 $0x0;
	s20 =	sshll.u32 s5, $0x1;
	s5 =	sadd.s32 s21, s3  }
0x9d: {  	[timem:s7], [sflag:s22] =	dma.local [hbm:s5], s20  }
0x9e: {  	_ =	swait.ge [sflag:s22], s20  }
0x9f: {  	s4 =	ssub.s32 $0x0, s20;
	[sflag:s22] =	ssyncset.done $0x0  }
0xa0: {  	[sflag:s22] =	ssyncadd.s32 s4;
	_ =	sdelay $0x1  }
0xa1: {  	s23 =	simm.s32 $0x1B8B  }
0xa2: {  	_ =	swait.ge [sflag:s23], $0x1  }
0xa3: {  	[sflag:s23] =	ssyncset.done $0x0  }
0xa4: {  	s25 =	simm.s32 $0x1B8E;
	s24 =	sld [smem:$0x3FFE];
	[sflag:s23] =	ssyncadd.s32 $0xFFFFFFFF  }
0xa5: {  	s26 =	simm.s32 $execute0_lowered;
	[smem:$0x3FD2] =	sst s25  }
0xa6: {  	s5 =	sshll.u32 s26, $0x1;
	_ =	strace $0x80000046;
	[dreg:$0x1] =	wrdreg $0xFFFFFFFF  }
0xa7: {  	s28 =	simm.s32 $_size_execute0_lowered;
	s3 =	sadd.s32 s3, s5;
	[dreg:$0x0] =	wrdreg $0x0  }
0xa8: {  	s5 =	sshll.u32 s28, $0x1;
	[dreg:$0x2] =	wrdreg s3  }
0xa9: {  	[dreg:$0x3] =	wrdreg s5  }
0xaa: {  	[dreg:$0x4] =	wrdreg $0xC0  }
0xab: {  	_ =	task [dreg:s7], $0x5FFFF  }
0xac: {  	[dreg:$0x1] =	wrdreg $0xFFFFFFFF  }
0xad: {  	[dreg:$0x0] =	wrdreg $0x60  }
0xae: {  	[dreg:$0x2] =	wrdreg s24  }
0xaf: {  	[dreg:$0x3] =	wrdreg s2  }
0xb0: {  	[dreg:$0x4] =	wrdreg $0x10800  }
0xb1: {  	[dreg:$0x5] =	wrdreg $0x9  }
0xb2: {  	_ =	task.clear_ibuf [dreg:s7], $0x6FFFF;
	_ =	strace $0x90000046  }
0xb3: {  	s29 =	simm.s32 $0x9;
	_ =	strace $0x80000048  }
0xb4: {  	_ =	swait.ge [sflag:s29], $0x1  }
0xb5: {  	[sflag:s29] =	ssyncadd.s32 $0xFFFFFFFF  }
0xb6: {  	_ =	strace $0x90000048  }
0xb7: {  	_ =	sfence  }
0xb8: {  	s30 =	sld [smem:$0x0];
	_ =	sdelay $0x2  }
0xb9: {  	s31 =	sshll.u32 s1, $0xD;
	s1 =	sshrl.u32 s1, $0x2  }
0xba: {  	s3 =	sand.u32 $0x4000, s31;
	s1 =	sadd.s32 s1, s30  }
0xbb: {  	s0 =	sor.u32 s3, s0;
	s1 =	sshll.u32 s1, $0x11  }
0xbc: {  	s0 =	sor.u32 s1, s0  }
0xbd: {  	s0 =	sadd.s32 $0x8F2B, s0  }
0xbe: {  	[sflag:s0] =	ssyncadd.remote.s32 $0x1  }
0xbf: {  	_ =	sfence.sel $0xFFFF  }
0xc0: {  	[dreg:$0x0] =	wrdreg $0xFFFFFFFF;
	(pc) =	sbr.abs _section_cstart, $3  }
0xc1: {  	[dreg:$0x1] =	wrdreg $0xFFFFFFFF  }
0xc2: {  	_ =	task.clear_ibuf [dreg:s7], $0x2FFFF;
	_ =	strace $0x9FFFFFFF  }
0xc3: {  	(tm) =	ssettm $0x7FFFFFFF  }
tec
execute0_lowered:
.L_overlay_start_1:
0x0: {  	(tag) =	ssettag $0x1  }
0x1: {  	s0 =	rddreg [dreg:$0x0]  }
0x2: {  	s1 =	rddreg [dreg:$0x1]  }
0x3: {  	s2 =	rddreg [dreg:$0x2];
	s9 =	stileid.u32;
	s3 =	simm.s32 $0x0  }
0x4: {  	s4 =	srdreg.scid;
	s25 =	simm.s32 $0x80;
	s10 =	simm.s32 $0x2  }
0x5: {  	s26 =	simm.s32 $0x100;
	s11 =	simm.s32 $0x1000;
	s12 =	simm.s32 $0x64  }
0x6: {  	s14 =	simm.s32 $0x200;
	s15 =	simm.s32 $0x280;
	s16 =	simm.s32 $0x300  }
0x7: {  	s17 =	simm.s32 $0x380;
	s18 =	simm.s32 $0x400;
	s19 =	simm.s32 $0x480  }
0x8: {  	s28 =	simm.s32 $0x880;
	s29 =	simm.s32 $0x900;
	s30 =	simm.s32 $0x980  }
0x9: {  	s31 =	simm.s32 $0xA00;
	s5 =	smul.u32 $0x280, s9;
	[smem:$0x7FF] =	sst s3  }
0xa: {  	s4 =	sand.u32 $0x1, s4;
	s22 =	sshll.u32 s9, $0x6;
	s9 =	sshll.u32 s9, $0xB  }
0xb: {  	_ =	strace $0x80000047;
	s6 =	sshll.u32 s4, $0xF;
	s8 =	ssub.s32 $0x2, s4  }
0xc: {  	s4 =	smul.u32 $0x2800, s4;
	s13 =	sor.u32 $0x1C02, s22;
	[dreg:$0x5] =	wrdreg s25  }
0xd: {  	[dreg:$0x6] =	wrdreg s26;
	s22 =	simm.s32 $0x600;
	s25 =	simm.s32 $0x780  }
0xe: {  	s26 =	simm.s32 $0x800;
	s7 =	sshrl.u32 s5, $0x3;
	s6 =	sadd.s32 s6, s0  }
0xf: {  	s20 =	sshrl.u32 s8, $0x1;
	s21 =	sadd.s32 s5, s2;
	[dreg:$0x9] =	wrdreg s13  }
0x10: {  	s7 =	sadd.s32 s7, s0;
	s0 =	sadd.s32 $0x11A00, s0;
	s4 =	sadd.s32 s5, s4  }
0x11: {  	s23 =	sadd.s32 s9, s6;
	s5 =	simm.s32 $0xC00;
	s9 =	simm.s32 $0x0  }
0x12: {  	[dreg:$0x7] =	wrdreg s0;
	s0 =	ssub.s32 s8, s20;
	s7 =	sadd.s32 $0x11C00, s7  }
0x13: {  	s4 =	sshrl.u32 s4, $0x3;
	s24 =	sadd.s32 $0x1A00, s23;
	s8 =	sshrl.u32 s21, $0x3  }
0x14: {  	s20 =	simm.s32 $0x500;
	s21 =	simm.s32 $0x580;
	[dreg:$0x8] =	wrdreg s7  }
0x15: {  	s23 =	simm.s32 $0x680;
	s1 =	sadd.s32 s1, s4;
	[dreg:$0x4] =	wrdreg s24  }
0x16: {  	s0 =	smax.u32 s0, $0x1;
	s24 =	simm.s32 $0x700;
	[dreg:$0xc] =	wrdreg s8  }
0x17: {  	s4 =	simm.s32 $0xB80;
	s7 =	simm.s32 $0x1;
	[dreg:$0xa] =	wrdreg s1  }
0x18: {  	[dreg:$0xb] =	wrdreg s0;
	s0 =	simm.s32 $0xA80;
	s1 =	simm.s32 $0xB00  }
.LBB2_1:
0x19: {  	[dreg:$0xd] =	wrdreg s9  }
0x1a: {  	s6 =	rddreg [dreg:$0x8]  }
0x1b: {  	[spmem:s8], [sflag:s13] =	dma.local [hbm:s6], $0x50  }
0x1c: {  	_ =	swait.ge [sflag:s10], $0x50  }
0x1d: {  	[sflag:s10] =	ssyncset.done $0x0  }
0x1e: {  	s9 =	rddreg [dreg:$0x7];
	[sflag:s10] =	ssyncadd.s32 $0xFFFFFFB0  }
0x1f: {  	[tilespmem:s11], [sflag:$0x2] =	stream.linear.gather [hbm4b:s9+s3], $0x80, $0x38;
	[tilespmem:$0x1300] =	vst v63  }
0x20: {  	_ =	swait.ge [sflag:s10], $0x80  }
0x21: {  	[sflag:s10] =	ssyncset.done $0x0  }
0x22: {  	[sflag:s10] =	ssyncadd.s32 $0xFFFFFF80  }
0x23: {  	[bflag:$0x0] =	sbarrier.arrive $0xFFFF  }
0x24: {  	s13 =	rddreg [dreg:$0x4]  }
0x25: {  	s6 =	sadd.s32 $0x0, s13  }
0x26: {  	[tilespmem:s3], [sflag:$0x2] =	stream.linear.gather [hbm4b:s6+s3], $0xC80, $0x38;
	[tilespmem:$0x1300] =	vst v63  }
0x27: {  	_ =	swait.ge [sflag:s10], $0xC80  }
0x28: {  	[sflag:s10] =	ssyncset.done $0x0  }
0x29: {  	[sflag:s10] =	ssyncadd.s32 $0xFFFFF380  }
0x2a: {  	[spmem:s2] =	stream.indirect.scatter.add.f32 [tilespmem:s11], [sflag:$0x1], $0x1, s3, s12, $0xb8;
	[tilespmem:$0x1300] =	vst v63  }
0x2b: {  	s8 =	rddreg [dreg:$0x5]  }
0x2c: {  	[spmem:s2] =	stream.indirect.scatter.add.f32 [tilespmem:s11], [sflag:$0x1], $0x1, s8, s12, $0xb8;
	[tilespmem:$0x1300] =	vst v63  }
0x2d: {  	s9 =	rddreg [dreg:$0x6]  }
0x2e: {  	[spmem:s2] =	stream.indirect.scatter.add.f32 [tilespmem:s11], [sflag:$0x1], $0x1, s9, s12, $0xb8;
	[tilespmem:$0x1300] =	vst v63  }
0x2f: {  	s13 =	simm.s32 $0x180  }
0x30: {  	[spmem:s2] =	stream.indirect.scatter.add.f32 [tilespmem:s11], [sflag:$0x1], $0x1, s13, s12, $0xb8;
	[tilespmem:$0x1300] =	vst v63  }
0x31: {  	_ = 	snop  }
0x32: {  	[spmem:s2] =	stream.indirect.scatter.add.f32 [tilespmem:s11], [sflag:$0x1], $0x1, s14, s12, $0xb8;
	[tilespmem:$0x1300] =	vst v63  }
0x33: {  	_ = 	snop  }
0x34: {  	[spmem:s2] =	stream.indirect.scatter.add.f32 [tilespmem:s11], [sflag:$0x1], $0x1, s15, s12, $0xb8;
	[tilespmem:$0x1300] =	vst v63  }
0x35: {  	_ = 	snop  }
0x36: {  	[spmem:s2] =	stream.indirect.scatter.add.f32 [tilespmem:s11], [sflag:$0x1], $0x1, s16, s12, $0xb8;
	[tilespmem:$0x1300] =	vst v63  }
0x37: {  	_ = 	snop  }
0x38: {  	[spmem:s2] =	stream.indirect.scatter.add.f32 [tilespmem:s11], [sflag:$0x1], $0x1, s17, s12, $0xb8;
	[tilespmem:$0x1300] =	vst v63  }
0x39: {  	_ = 	snop  }
0x3a: {  	[spmem:s2] =	stream.indirect.scatter.add.f32 [tilespmem:s11], [sflag:$0x1], $0x1, s18, s12, $0xb8;
	[tilespmem:$0x1300] =	vst v63  }
0x3b: {  	_ = 	snop  }
0x3c: {  	[spmem:s2] =	stream.indirect.scatter.add.f32 [tilespmem:s11], [sflag:$0x1], $0x1, s19, s12, $0xb8;
	[tilespmem:$0x1300] =	vst v63  }
0x3d: {  	_ = 	snop  }
0x3e: {  	[spmem:s2] =	stream.indirect.scatter.add.f32 [tilespmem:s11], [sflag:$0x1], $0x1, s20, s12, $0xb8;
	[tilespmem:$0x1300] =	vst v63  }
0x3f: {  	_ = 	snop  }
0x40: {  	[spmem:s2] =	stream.indirect.scatter.add.f32 [tilespmem:s11], [sflag:$0x1], $0x1, s21, s12, $0xb8;
	[tilespmem:$0x1300] =	vst v63  }
0x41: {  	_ = 	snop  }
0x42: {  	[spmem:s2] =	stream.indirect.scatter.add.f32 [tilespmem:s11], [sflag:$0x1], $0x1, s22, s12, $0xb8;
	[tilespmem:$0x1300] =	vst v63  }
0x43: {  	_ = 	snop  }
0x44: {  	[spmem:s2] =	stream.indirect.scatter.add.f32 [tilespmem:s11], [sflag:$0x1], $0x1, s23, s12, $0xb8;
	[tilespmem:$0x1300] =	vst v63  }
0x45: {  	_ = 	snop  }
0x46: {  	[spmem:s2] =	stream.indirect.scatter.add.f32 [tilespmem:s11], [sflag:$0x1], $0x1, s24, s12, $0xb8;
	[tilespmem:$0x1300] =	vst v63  }
0x47: {  	_ = 	snop  }
0x48: {  	[spmem:s2] =	stream.indirect.scatter.add.f32 [tilespmem:s11], [sflag:$0x1], $0x1, s25, s12, $0xb8;
	[tilespmem:$0x1300] =	vst v63  }
0x49: {  	_ = 	snop  }
0x4a: {  	[spmem:s2] =	stream.indirect.scatter.add.f32 [tilespmem:s11], [sflag:$0x1], $0x1, s26, s12, $0xb8;
	[tilespmem:$0x1300] =	vst v63  }
0x4b: {  	_ = 	snop  }
0x4c: {  	[spmem:s2] =	stream.indirect.scatter.add.f32 [tilespmem:s11], [sflag:$0x1], $0x1, s28, s12, $0xb8;
	[tilespmem:$0x1300] =	vst v63  }
0x4d: {  	_ = 	snop  }
0x4e: {  	[spmem:s2] =	stream.indirect.scatter.add.f32 [tilespmem:s11], [sflag:$0x1], $0x1, s29, s12, $0xb8;
	[tilespmem:$0x1300] =	vst v63  }
0x4f: {  	_ = 	snop  }
0x50: {  	[spmem:s2] =	stream.indirect.scatter.add.f32 [tilespmem:s11], [sflag:$0x1], $0x1, s30, s12, $0xb8;
	[tilespmem:$0x1300] =	vst v63  }
0x51: {  	_ = 	snop  }
0x52: {  	[spmem:s2] =	stream.indirect.scatter.add.f32 [tilespmem:s11], [sflag:$0x1], $0x1, s31, s12, $0xb8;
	[tilespmem:$0x1300] =	vst v63  }
0x53: {  	_ = 	snop  }
0x54: {  	[spmem:s2] =	stream.indirect.scatter.add.f32 [tilespmem:s11], [sflag:$0x1], $0x1, s0, s12, $0xb8;
	[tilespmem:$0x1300] =	vst v63  }
0x55: {  	_ = 	snop  }
0x56: {  	[spmem:s2] =	stream.indirect.scatter.add.f32 [tilespmem:s11], [sflag:$0x1], $0x1, s1, s12, $0xb8;
	[tilespmem:$0x1300] =	vst v63  }
0x57: {  	_ = 	snop  }
0x58: {  	[spmem:s2] =	stream.indirect.scatter.add.f32 [tilespmem:s11], [sflag:$0x1], $0x1, s4, s12, $0xb8;
	[tilespmem:$0x1300] =	vst v63  }
0x59: {  	_ = 	snop  }
0x5a: {  	[spmem:s2] =	stream.indirect.scatter.add.f32 [tilespmem:s11], [sflag:$0x1], $0x1, s5, s12, $0xb8;
	[tilespmem:$0x1300] =	vst v63  }
0x5b: {  	_ =	swait.ge [sflag:s7], $0x64  }
0x5c: {  	[sflag:s7] =	ssyncset.done $0x0  }
0x5d: {  	[sflag:s7] =	ssyncadd.s32 $0xFFFFFF9C  }
0x5e: {  	_ =	swait.ge [sflag:s7], $0x64  }
0x5f: {  	[sflag:s7] =	ssyncset.done $0x0  }
0x60: {  	[sflag:s7] =	ssyncadd.s32 $0xFFFFFF9C  }
0x61: {  	_ =	swait.ge [sflag:s7], $0x64  }
0x62: {  	[sflag:s7] =	ssyncset.done $0x0  }
0x63: {  	[sflag:s7] =	ssyncadd.s32 $0xFFFFFF9C  }
0x64: {  	_ =	swait.ge [sflag:s7], $0x64  }
0x65: {  	[sflag:s7] =	ssyncset.done $0x0  }
0x66: {  	[sflag:s7] =	ssyncadd.s32 $0xFFFFFF9C  }
0x67: {  	_ =	swait.ge [sflag:s7], $0x64  }
0x68: {  	[sflag:s7] =	ssyncset.done $0x0  }
0x69: {  	[sflag:s7] =	ssyncadd.s32 $0xFFFFFF9C  }
0x6a: {  	_ =	swait.ge [sflag:s7], $0x64  }
0x6b: {  	[sflag:s7] =	ssyncset.done $0x0  }
0x6c: {  	[sflag:s7] =	ssyncadd.s32 $0xFFFFFF9C  }
0x6d: {  	_ =	swait.ge [sflag:s7], $0x64  }
0x6e: {  	[sflag:s7] =	ssyncset.done $0x0  }
0x6f: {  	[sflag:s7] =	ssyncadd.s32 $0xFFFFFF9C  }
0x70: {  	_ =	swait.ge [sflag:s7], $0x64  }
0x71: {  	[sflag:s7] =	ssyncset.done $0x0  }
0x72: {  	[sflag:s7] =	ssyncadd.s32 $0xFFFFFF9C  }
0x73: {  	_ =	swait.ge [sflag:s7], $0x64  }
0x74: {  	[sflag:s7] =	ssyncset.done $0x0  }
0x75: {  	[sflag:s7] =	ssyncadd.s32 $0xFFFFFF9C  }
0x76: {  	_ =	swait.ge [sflag:s7], $0x64  }
0x77: {  	[sflag:s7] =	ssyncset.done $0x0  }
0x78: {  	[sflag:s7] =	ssyncadd.s32 $0xFFFFFF9C  }
0x79: {  	_ =	swait.ge [sflag:s7], $0x64  }
0x7a: {  	[sflag:s7] =	ssyncset.done $0x0  }
0x7b: {  	[sflag:s7] =	ssyncadd.s32 $0xFFFFFF9C  }
0x7c: {  	_ =	swait.ge [sflag:s7], $0x64  }
0x7d: {  	[sflag:s7] =	ssyncset.done $0x0  }
0x7e: {  	[sflag:s7] =	ssyncadd.s32 $0xFFFFFF9C  }
0x7f: {  	_ =	swait.ge [sflag:s7], $0x64  }
0x80: {  	[sflag:s7] =	ssyncset.done $0x0  }
0x81: {  	[sflag:s7] =	ssyncadd.s32 $0xFFFFFF9C  }
0x82: {  	_ =	swait.ge [sflag:s7], $0x64  }
0x83: {  	[sflag:s7] =	ssyncset.done $0x0  }
0x84: {  	[sflag:s7] =	ssyncadd.s32 $0xFFFFFF9C  }
0x85: {  	_ =	swait.ge [sflag:s7], $0x64  }
0x86: {  	[sflag:s7] =	ssyncset.done $0x0  }
0x87: {  	[sflag:s7] =	ssyncadd.s32 $0xFFFFFF9C  }
0x88: {  	_ =	swait.ge [sflag:s7], $0x64  }
0x89: {  	[sflag:s7] =	ssyncset.done $0x0  }
0x8a: {  	[sflag:s7] =	ssyncadd.s32 $0xFFFFFF9C  }
0x8b: {  	_ =	swait.ge [sflag:s7], $0x64  }
0x8c: {  	[sflag:s7] =	ssyncset.done $0x0  }
0x8d: {  	[sflag:s7] =	ssyncadd.s32 $0xFFFFFF9C  }
0x8e: {  	_ =	swait.ge [sflag:s7], $0x64  }
0x8f: {  	[sflag:s7] =	ssyncset.done $0x0  }
0x90: {  	[sflag:s7] =	ssyncadd.s32 $0xFFFFFF9C  }
0x91: {  	_ =	swait.ge [sflag:s7], $0x64  }
0x92: {  	[sflag:s7] =	ssyncset.done $0x0  }
0x93: {  	[sflag:s7] =	ssyncadd.s32 $0xFFFFFF9C  }
0x94: {  	_ =	swait.ge [sflag:s7], $0x64  }
0x95: {  	[sflag:s7] =	ssyncset.done $0x0  }
0x96: {  	[sflag:s7] =	ssyncadd.s32 $0xFFFFFF9C  }
0x97: {  	_ =	swait.ge [sflag:s7], $0x64  }
0x98: {  	[sflag:s7] =	ssyncset.done $0x0  }
0x99: {  	[sflag:s7] =	ssyncadd.s32 $0xFFFFFF9C  }
0x9a: {  	_ =	swait.ge [sflag:s7], $0x64  }
0x9b: {  	[sflag:s7] =	ssyncset.done $0x0  }
0x9c: {  	[sflag:s7] =	ssyncadd.s32 $0xFFFFFF9C  }
0x9d: {  	_ =	swait.ge [sflag:s7], $0x64  }
0x9e: {  	[sflag:s7] =	ssyncset.done $0x0  }
0x9f: {  	[sflag:s7] =	ssyncadd.s32 $0xFFFFFF9C  }
0xa0: {  	_ =	swait.ge [sflag:s7], $0x64  }
0xa1: {  	[sflag:s7] =	ssyncset.done $0x0  }
0xa2: {  	[sflag:s7] =	ssyncadd.s32 $0xFFFFFF9C  }
0xa3: {  	s6 =	simm.s32 $0x200;
	_ =	swait.ge [sflag:s7], $0x64  }
0xa4: {  	s9 =	simm.s32 $0x400;
	s8 =	rddreg [dreg:$0x4];
	[sflag:s7] =	ssyncset.done $0x0  }
.LBB2_2:
0xa5: {  	[sflag:s7] =	ssyncadd.s32 $0xFFFFFF9C;
	s8 =	sadd.s32 s6, s8  }
0xa6: {  	[tilespmem:s3], [sflag:$0x2] =	stream.linear.gather [hbm4b:s8+s3], $0xC80, $0x38;
	[tilespmem:$0x1300] =	vst v63  }
0xa7: {  	_ =	swait.ge [sflag:s10], $0xC80  }
0xa8: {  	[sflag:s10] =	ssyncset.done $0x0  }
0xa9: {  	[sflag:s10] =	ssyncadd.s32 $0xFFFFF380  }
0xaa: {  	[spmem:s2] =	stream.indirect.scatter.add.f32 [tilespmem:s11], [sflag:$0x1], $0x1, s3, s12, $0xb8;
	[tilespmem:$0x1300] =	vst v63  }
0xab: {  	s13 =	smov.u32 s9;
	s8 =	rddreg [dreg:$0x5]  }
0xac: {  	[spmem:s2] =	stream.indirect.scatter.add.f32 [tilespmem:s11], [sflag:$0x1], $0x1, s8, s12, $0xb8;
	[tilespmem:$0x1300] =	vst v63  }
0xad: {  	s6 =	smov.u32 s13;
	s13 =	rddreg [dreg:$0x6]  }
0xae: {  	[spmem:s2] =	stream.indirect.scatter.add.f32 [tilespmem:s11], [sflag:$0x1], $0x1, s13, s12, $0xb8;
	[tilespmem:$0x1300] =	vst v63  }
0xaf: {  	s13 =	simm.s32 $0x180  }
0xb0: {  	[spmem:s2] =	stream.indirect.scatter.add.f32 [tilespmem:s11], [sflag:$0x1], $0x1, s13, s12, $0xb8;
	[tilespmem:$0x1300] =	vst v63  }
0xb1: {  	_ = 	snop  }
0xb2: {  	[spmem:s2] =	stream.indirect.scatter.add.f32 [tilespmem:s11], [sflag:$0x1], $0x1, s14, s12, $0xb8;
	[tilespmem:$0x1300] =	vst v63  }
0xb3: {  	_ = 	snop  }
0xb4: {  	[spmem:s2] =	stream.indirect.scatter.add.f32 [tilespmem:s11], [sflag:$0x1], $0x1, s15, s12, $0xb8;
	[tilespmem:$0x1300] =	vst v63  }
0xb5: {  	_ = 	snop  }
0xb6: {  	[spmem:s2] =	stream.indirect.scatter.add.f32 [tilespmem:s11], [sflag:$0x1], $0x1, s16, s12, $0xb8;
	[tilespmem:$0x1300] =	vst v63  }
0xb7: {  	_ = 	snop  }
0xb8: {  	[spmem:s2] =	stream.indirect.scatter.add.f32 [tilespmem:s11], [sflag:$0x1], $0x1, s17, s12, $0xb8;
	[tilespmem:$0x1300] =	vst v63  }
0xb9: {  	_ = 	snop  }
0xba: {  	[spmem:s2] =	stream.indirect.scatter.add.f32 [tilespmem:s11], [sflag:$0x1], $0x1, s18, s12, $0xb8;
	[tilespmem:$0x1300] =	vst v63  }
0xbb: {  	_ = 	snop  }
0xbc: {  	[spmem:s2] =	stream.indirect.scatter.add.f32 [tilespmem:s11], [sflag:$0x1], $0x1, s19, s12, $0xb8;
	[tilespmem:$0x1300] =	vst v63  }
0xbd: {  	_ = 	snop  }
0xbe: {  	[spmem:s2] =	stream.indirect.scatter.add.f32 [tilespmem:s11], [sflag:$0x1], $0x1, s20, s12, $0xb8;
	[tilespmem:$0x1300] =	vst v63  }
0xbf: {  	_ = 	snop  }
0xc0: {  	[spmem:s2] =	stream.indirect.scatter.add.f32 [tilespmem:s11], [sflag:$0x1], $0x1, s21, s12, $0xb8;
	[tilespmem:$0x1300] =	vst v63  }
0xc1: {  	_ = 	snop  }
0xc2: {  	[spmem:s2] =	stream.indirect.scatter.add.f32 [tilespmem:s11], [sflag:$0x1], $0x1, s22, s12, $0xb8;
	[tilespmem:$0x1300] =	vst v63  }
0xc3: {  	_ = 	snop  }
0xc4: {  	[spmem:s2] =	stream.indirect.scatter.add.f32 [tilespmem:s11], [sflag:$0x1], $0x1, s23, s12, $0xb8;
	[tilespmem:$0x1300] =	vst v63  }
0xc5: {  	_ = 	snop  }
0xc6: {  	[spmem:s2] =	stream.indirect.scatter.add.f32 [tilespmem:s11], [sflag:$0x1], $0x1, s24, s12, $0xb8;
	[tilespmem:$0x1300] =	vst v63  }
0xc7: {  	_ = 	snop  }
0xc8: {  	[spmem:s2] =	stream.indirect.scatter.add.f32 [tilespmem:s11], [sflag:$0x1], $0x1, s25, s12, $0xb8;
	[tilespmem:$0x1300] =	vst v63  }
0xc9: {  	_ = 	snop  }
0xca: {  	[spmem:s2] =	stream.indirect.scatter.add.f32 [tilespmem:s11], [sflag:$0x1], $0x1, s26, s12, $0xb8;
	[tilespmem:$0x1300] =	vst v63  }
0xcb: {  	_ = 	snop  }
0xcc: {  	[spmem:s2] =	stream.indirect.scatter.add.f32 [tilespmem:s11], [sflag:$0x1], $0x1, s28, s12, $0xb8;
	[tilespmem:$0x1300] =	vst v63  }
0xcd: {  	_ = 	snop  }
0xce: {  	[spmem:s2] =	stream.indirect.scatter.add.f32 [tilespmem:s11], [sflag:$0x1], $0x1, s29, s12, $0xb8;
	[tilespmem:$0x1300] =	vst v63  }
0xcf: {  	_ = 	snop  }
0xd0: {  	[spmem:s2] =	stream.indirect.scatter.add.f32 [tilespmem:s11], [sflag:$0x1], $0x1, s30, s12, $0xb8;
	[tilespmem:$0x1300] =	vst v63  }
0xd1: {  	_ = 	snop  }
0xd2: {  	[spmem:s2] =	stream.indirect.scatter.add.f32 [tilespmem:s11], [sflag:$0x1], $0x1, s31, s12, $0xb8;
	[tilespmem:$0x1300] =	vst v63  }
0xd3: {  	_ = 	snop  }
0xd4: {  	[spmem:s2] =	stream.indirect.scatter.add.f32 [tilespmem:s11], [sflag:$0x1], $0x1, s0, s12, $0xb8;
	[tilespmem:$0x1300] =	vst v63  }
0xd5: {  	_ = 	snop  }
0xd6: {  	[spmem:s2] =	stream.indirect.scatter.add.f32 [tilespmem:s11], [sflag:$0x1], $0x1, s1, s12, $0xb8;
	[tilespmem:$0x1300] =	vst v63  }
0xd7: {  	_ = 	snop  }
0xd8: {  	[spmem:s2] =	stream.indirect.scatter.add.f32 [tilespmem:s11], [sflag:$0x1], $0x1, s4, s12, $0xb8;
	[tilespmem:$0x1300] =	vst v63  }
0xd9: {  	_ = 	snop  }
0xda: {  	[spmem:s2] =	stream.indirect.scatter.add.f32 [tilespmem:s11], [sflag:$0x1], $0x1, s5, s12, $0xb8;
	[tilespmem:$0x1300] =	vst v63  }
0xdb: {  	_ =	swait.ge [sflag:s7], $0x64  }
0xdc: {  	[sflag:s7] =	ssyncset.done $0x0  }
0xdd: {  	[sflag:s7] =	ssyncadd.s32 $0xFFFFFF9C  }
0xde: {  	_ =	swait.ge [sflag:s7], $0x64  }
0xdf: {  	[sflag:s7] =	ssyncset.done $0x0  }
0xe0: {  	[sflag:s7] =	ssyncadd.s32 $0xFFFFFF9C  }
0xe1: {  	_ =	swait.ge [sflag:s7], $0x64  }
0xe2: {  	[sflag:s7] =	ssyncset.done $0x0  }
0xe3: {  	[sflag:s7] =	ssyncadd.s32 $0xFFFFFF9C  }
0xe4: {  	_ =	swait.ge [sflag:s7], $0x64  }
0xe5: {  	[sflag:s7] =	ssyncset.done $0x0  }
0xe6: {  	[sflag:s7] =	ssyncadd.s32 $0xFFFFFF9C  }
0xe7: {  	_ =	swait.ge [sflag:s7], $0x64  }
0xe8: {  	[sflag:s7] =	ssyncset.done $0x0  }
0xe9: {  	[sflag:s7] =	ssyncadd.s32 $0xFFFFFF9C  }
0xea: {  	_ =	swait.ge [sflag:s7], $0x64  }
0xeb: {  	[sflag:s7] =	ssyncset.done $0x0  }
0xec: {  	[sflag:s7] =	ssyncadd.s32 $0xFFFFFF9C  }
0xed: {  	_ =	swait.ge [sflag:s7], $0x64  }
0xee: {  	[sflag:s7] =	ssyncset.done $0x0  }
0xef: {  	[sflag:s7] =	ssyncadd.s32 $0xFFFFFF9C  }
0xf0: {  	_ =	swait.ge [sflag:s7], $0x64  }
0xf1: {  	[sflag:s7] =	ssyncset.done $0x0  }
0xf2: {  	[sflag:s7] =	ssyncadd.s32 $0xFFFFFF9C  }
0xf3: {  	_ =	swait.ge [sflag:s7], $0x64  }
0xf4: {  	[sflag:s7] =	ssyncset.done $0x0  }
0xf5: {  	[sflag:s7] =	ssyncadd.s32 $0xFFFFFF9C  }
0xf6: {  	_ =	swait.ge [sflag:s7], $0x64  }
0xf7: {  	[sflag:s7] =	ssyncset.done $0x0  }
0xf8: {  	[sflag:s7] =	ssyncadd.s32 $0xFFFFFF9C  }
0xf9: {  	_ =	swait.ge [sflag:s7], $0x64  }
0xfa: {  	[sflag:s7] =	ssyncset.done $0x0  }
0xfb: {  	[sflag:s7] =	ssyncadd.s32 $0xFFFFFF9C  }
0xfc: {  	_ =	swait.ge [sflag:s7], $0x64  }
0xfd: {  	[sflag:s7] =	ssyncset.done $0x0  }
0xfe: {  	[sflag:s7] =	ssyncadd.s32 $0xFFFFFF9C  }
0xff: {  	_ =	swait.ge [sflag:s7], $0x64  }
0x100: {  	[sflag:s7] =	ssyncset.done $0x0  }
0x101: {  	[sflag:s7] =	ssyncadd.s32 $0xFFFFFF9C  }
0x102: {  	_ =	swait.ge [sflag:s7], $0x64  }
0x103: {  	[sflag:s7] =	ssyncset.done $0x0  }
0x104: {  	[sflag:s7] =	ssyncadd.s32 $0xFFFFFF9C  }
0x105: {  	_ =	swait.ge [sflag:s7], $0x64  }
0x106: {  	[sflag:s7] =	ssyncset.done $0x0  }
0x107: {  	[sflag:s7] =	ssyncadd.s32 $0xFFFFFF9C  }
0x108: {  	_ =	swait.ge [sflag:s7], $0x64  }
0x109: {  	[sflag:s7] =	ssyncset.done $0x0  }
0x10a: {  	[sflag:s7] =	ssyncadd.s32 $0xFFFFFF9C  }
0x10b: {  	_ =	swait.ge [sflag:s7], $0x64  }
0x10c: {  	[sflag:s7] =	ssyncset.done $0x0  }
0x10d: {  	[sflag:s7] =	ssyncadd.s32 $0xFFFFFF9C  }
0x10e: {  	_ =	swait.ge [sflag:s7], $0x64  }
0x10f: {  	[sflag:s7] =	ssyncset.done $0x0  }
0x110: {  	[sflag:s7] =	ssyncadd.s32 $0xFFFFFF9C  }
0x111: {  	_ =	swait.ge [sflag:s7], $0x64  }
0x112: {  	[sflag:s7] =	ssyncset.done $0x0  }
0x113: {  	[sflag:s7] =	ssyncadd.s32 $0xFFFFFF9C  }
0x114: {  	_ =	swait.ge [sflag:s7], $0x64  }
0x115: {  	[sflag:s7] =	ssyncset.done $0x0  }
0x116: {  	[sflag:s7] =	ssyncadd.s32 $0xFFFFFF9C  }
0x117: {  	_ =	swait.ge [sflag:s7], $0x64  }
0x118: {  	[sflag:s7] =	ssyncset.done $0x0  }
0x119: {  	[sflag:s7] =	ssyncadd.s32 $0xFFFFFF9C  }
0x11a: {  	_ =	swait.ge [sflag:s7], $0x64  }
0x11b: {  	[sflag:s7] =	ssyncset.done $0x0  }
0x11c: {  	[sflag:s7] =	ssyncadd.s32 $0xFFFFFF9C  }
0x11d: {  	_ =	swait.ge [sflag:s7], $0x64  }
0x11e: {  	[sflag:s7] =	ssyncset.done $0x0  }
0x11f: {  	p0 =	sne.s32 s9, $0x600;
	[sflag:s7] =	ssyncadd.s32 $0xFFFFFF9C  }
.Ltmp0:
0x120: {  	_ =	swait.ge [sflag:s7], $0x64;
	(pc) =	sbr.rel @p0 .LBB2_2-.Ltmp0, $4  }
0x121: {  	[sflag:s7] =	ssyncset.done $0x0  }
0x122: {  	[sflag:s7] =	ssyncadd.s32 $0xFFFFFF9C  }
0x123: {  	_ =	swait.ge [sflag:s7], $0x64  }
0x124: {  	s9 =	sadd.s32 $0x200, s9;
	s8 =	rddreg [dreg:$0x4];
	[sflag:s7] =	ssyncset.done $0x0  }
0x125: {  	[sflag:s7] =	ssyncadd.s32 $0xFFFFFF9C;
	s6 =	sadd.s32 s6, s8  }
0x126: {  	[tilespmem:s3], [sflag:$0x2] =	stream.linear.gather [hbm4b:s6+s3], $0xC80, $0x38;
	[tilespmem:$0x1300] =	vst v63  }
0x127: {  	_ =	swait.ge [sflag:s10], $0xC80  }
0x128: {  	[sflag:s10] =	ssyncset.done $0x0  }
0x129: {  	[sflag:s10] =	ssyncadd.s32 $0xFFFFF380  }
0x12a: {  	[spmem:s2] =	stream.indirect.scatter.add.f32 [tilespmem:s11], [sflag:$0x1], $0x1, s3, s12, $0xb8;
	[tilespmem:$0x1300] =	vst v63  }
0x12b: {  	s9 =	rddreg [dreg:$0x5]  }
0x12c: {  	[spmem:s2] =	stream.indirect.scatter.add.f32 [tilespmem:s11], [sflag:$0x1], $0x1, s9, s12, $0xb8;
	[tilespmem:$0x1300] =	vst v63  }
0x12d: {  	s13 =	rddreg [dreg:$0x6]  }
0x12e: {  	[spmem:s2] =	stream.indirect.scatter.add.f32 [tilespmem:s11], [sflag:$0x1], $0x1, s13, s12, $0xb8;
	[tilespmem:$0x1300] =	vst v63  }
0x12f: {  	s8 =	simm.s32 $0x180  }
0x130: {  	[spmem:s2] =	stream.indirect.scatter.add.f32 [tilespmem:s11], [sflag:$0x1], $0x1, s8, s12, $0xb8;
	[tilespmem:$0x1300] =	vst v63  }
0x131: {  	_ = 	snop  }
0x132: {  	[spmem:s2] =	stream.indirect.scatter.add.f32 [tilespmem:s11], [sflag:$0x1], $0x1, s14, s12, $0xb8;
	[tilespmem:$0x1300] =	vst v63  }
0x133: {  	_ = 	snop  }
0x134: {  	[spmem:s2] =	stream.indirect.scatter.add.f32 [tilespmem:s11], [sflag:$0x1], $0x1, s15, s12, $0xb8;
	[tilespmem:$0x1300] =	vst v63  }
0x135: {  	_ = 	snop  }
0x136: {  	[spmem:s2] =	stream.indirect.scatter.add.f32 [tilespmem:s11], [sflag:$0x1], $0x1, s16, s12, $0xb8;
	[tilespmem:$0x1300] =	vst v63  }
0x137: {  	_ = 	snop  }
0x138: {  	[spmem:s2] =	stream.indirect.scatter.add.f32 [tilespmem:s11], [sflag:$0x1], $0x1, s17, s12, $0xb8;
	[tilespmem:$0x1300] =	vst v63  }
0x139: {  	_ = 	snop  }
0x13a: {  	[spmem:s2] =	stream.indirect.scatter.add.f32 [tilespmem:s11], [sflag:$0x1], $0x1, s18, s12, $0xb8;
	[tilespmem:$0x1300] =	vst v63  }
0x13b: {  	_ = 	snop  }
0x13c: {  	[spmem:s2] =	stream.indirect.scatter.add.f32 [tilespmem:s11], [sflag:$0x1], $0x1, s19, s12, $0xb8;
	[tilespmem:$0x1300] =	vst v63  }
0x13d: {  	_ = 	snop  }
0x13e: {  	[spmem:s2] =	stream.indirect.scatter.add.f32 [tilespmem:s11], [sflag:$0x1], $0x1, s20, s12, $0xb8;
	[tilespmem:$0x1300] =	vst v63  }
0x13f: {  	_ = 	snop  }
0x140: {  	[spmem:s2] =	stream.indirect.scatter.add.f32 [tilespmem:s11], [sflag:$0x1], $0x1, s21, s12, $0xb8;
	[tilespmem:$0x1300] =	vst v63  }
0x141: {  	_ = 	snop  }
0x142: {  	[spmem:s2] =	stream.indirect.scatter.add.f32 [tilespmem:s11], [sflag:$0x1], $0x1, s22, s12, $0xb8;
	[tilespmem:$0x1300] =	vst v63  }
0x143: {  	_ = 	snop  }
0x144: {  	[spmem:s2] =	stream.indirect.scatter.add.f32 [tilespmem:s11], [sflag:$0x1], $0x1, s23, s12, $0xb8;
	[tilespmem:$0x1300] =	vst v63  }
0x145: {  	_ = 	snop  }
0x146: {  	[spmem:s2] =	stream.indirect.scatter.add.f32 [tilespmem:s11], [sflag:$0x1], $0x1, s24, s12, $0xb8;
	[tilespmem:$0x1300] =	vst v63  }
0x147: {  	_ = 	snop  }
0x148: {  	[spmem:s2] =	stream.indirect.scatter.add.f32 [tilespmem:s11], [sflag:$0x1], $0x1, s25, s12, $0xb8;
	[tilespmem:$0x1300] =	vst v63  }
0x149: {  	_ = 	snop  }
0x14a: {  	[spmem:s2] =	stream.indirect.scatter.add.f32 [tilespmem:s11], [sflag:$0x1], $0x1, s26, s12, $0xb8;
	[tilespmem:$0x1300] =	vst v63  }
0x14b: {  	_ = 	snop  }
0x14c: {  	[spmem:s2] =	stream.indirect.scatter.add.f32 [tilespmem:s11], [sflag:$0x1], $0x1, s28, s12, $0xb8;
	[tilespmem:$0x1300] =	vst v63  }
0x14d: {  	_ = 	snop  }
0x14e: {  	[spmem:s2] =	stream.indirect.scatter.add.f32 [tilespmem:s11], [sflag:$0x1], $0x1, s29, s12, $0xb8;
	[tilespmem:$0x1300] =	vst v63  }
0x14f: {  	_ = 	snop  }
0x150: {  	[spmem:s2] =	stream.indirect.scatter.add.f32 [tilespmem:s11], [sflag:$0x1], $0x1, s30, s12, $0xb8;
	[tilespmem:$0x1300] =	vst v63  }
0x151: {  	_ = 	snop  }
0x152: {  	[spmem:s2] =	stream.indirect.scatter.add.f32 [tilespmem:s11], [sflag:$0x1], $0x1, s31, s12, $0xb8;
	[tilespmem:$0x1300] =	vst v63  }
0x153: {  	_ = 	snop  }
0x154: {  	[spmem:s2] =	stream.indirect.scatter.add.f32 [tilespmem:s11], [sflag:$0x1], $0x1, s0, s12, $0xb8;
	[tilespmem:$0x1300] =	vst v63  }
0x155: {  	_ = 	snop  }
0x156: {  	[spmem:s2] =	stream.indirect.scatter.add.f32 [tilespmem:s11], [sflag:$0x1], $0x1, s1, s12, $0xb8;
	[tilespmem:$0x1300] =	vst v63  }
0x157: {  	_ = 	snop  }
0x158: {  	[spmem:s2] =	stream.indirect.scatter.add.f32 [tilespmem:s11], [sflag:$0x1], $0x1, s4, s12, $0xb8;
	[tilespmem:$0x1300] =	vst v63  }
0x159: {  	_ = 	snop  }
0x15a: {  	[spmem:s2] =	stream.indirect.scatter.add.f32 [tilespmem:s11], [sflag:$0x1], $0x1, s5, s12, $0xb8;
	[tilespmem:$0x1300] =	vst v63  }
0x15b: {  	_ =	swait.ge [sflag:s7], $0x64  }
0x15c: {  	[sflag:s7] =	ssyncset.done $0x0  }
0x15d: {  	[sflag:s7] =	ssyncadd.s32 $0xFFFFFF9C  }
0x15e: {  	_ =	swait.ge [sflag:s7], $0x64  }
0x15f: {  	[sflag:s7] =	ssyncset.done $0x0  }
0x160: {  	[sflag:s7] =	ssyncadd.s32 $0xFFFFFF9C  }
0x161: {  	_ =	swait.ge [sflag:s7], $0x64  }
0x162: {  	[sflag:s7] =	ssyncset.done $0x0  }
0x163: {  	[sflag:s7] =	ssyncadd.s32 $0xFFFFFF9C  }
0x164: {  	_ =	swait.ge [sflag:s7], $0x64  }
0x165: {  	[sflag:s7] =	ssyncset.done $0x0  }
0x166: {  	[sflag:s7] =	ssyncadd.s32 $0xFFFFFF9C  }
0x167: {  	_ =	swait.ge [sflag:s7], $0x64  }
0x168: {  	[sflag:s7] =	ssyncset.done $0x0  }
0x169: {  	[sflag:s7] =	ssyncadd.s32 $0xFFFFFF9C  }
0x16a: {  	_ =	swait.ge [sflag:s7], $0x64  }
0x16b: {  	[sflag:s7] =	ssyncset.done $0x0  }
0x16c: {  	[sflag:s7] =	ssyncadd.s32 $0xFFFFFF9C  }
0x16d: {  	_ =	swait.ge [sflag:s7], $0x64  }
0x16e: {  	[sflag:s7] =	ssyncset.done $0x0  }
0x16f: {  	[sflag:s7] =	ssyncadd.s32 $0xFFFFFF9C  }
0x170: {  	_ =	swait.ge [sflag:s7], $0x64  }
0x171: {  	[sflag:s7] =	ssyncset.done $0x0  }
0x172: {  	[sflag:s7] =	ssyncadd.s32 $0xFFFFFF9C  }
0x173: {  	_ =	swait.ge [sflag:s7], $0x64  }
0x174: {  	[sflag:s7] =	ssyncset.done $0x0  }
0x175: {  	[sflag:s7] =	ssyncadd.s32 $0xFFFFFF9C  }
0x176: {  	_ =	swait.ge [sflag:s7], $0x64  }
0x177: {  	[sflag:s7] =	ssyncset.done $0x0  }
0x178: {  	[sflag:s7] =	ssyncadd.s32 $0xFFFFFF9C  }
0x179: {  	_ =	swait.ge [sflag:s7], $0x64  }
0x17a: {  	[sflag:s7] =	ssyncset.done $0x0  }
0x17b: {  	[sflag:s7] =	ssyncadd.s32 $0xFFFFFF9C  }
0x17c: {  	_ =	swait.ge [sflag:s7], $0x64  }
0x17d: {  	[sflag:s7] =	ssyncset.done $0x0  }
0x17e: {  	[sflag:s7] =	ssyncadd.s32 $0xFFFFFF9C  }
0x17f: {  	_ =	swait.ge [sflag:s7], $0x64  }
0x180: {  	[sflag:s7] =	ssyncset.done $0x0  }
0x181: {  	[sflag:s7] =	ssyncadd.s32 $0xFFFFFF9C  }
0x182: {  	_ =	swait.ge [sflag:s7], $0x64  }
0x183: {  	[sflag:s7] =	ssyncset.done $0x0  }
0x184: {  	[sflag:s7] =	ssyncadd.s32 $0xFFFFFF9C  }
0x185: {  	_ =	swait.ge [sflag:s7], $0x64  }
0x186: {  	[sflag:s7] =	ssyncset.done $0x0  }
0x187: {  	[sflag:s7] =	ssyncadd.s32 $0xFFFFFF9C  }
0x188: {  	_ =	swait.ge [sflag:s7], $0x64  }
0x189: {  	[sflag:s7] =	ssyncset.done $0x0  }
0x18a: {  	[sflag:s7] =	ssyncadd.s32 $0xFFFFFF9C  }
0x18b: {  	_ =	swait.ge [sflag:s7], $0x64  }
0x18c: {  	[sflag:s7] =	ssyncset.done $0x0  }
0x18d: {  	[sflag:s7] =	ssyncadd.s32 $0xFFFFFF9C  }
0x18e: {  	_ =	swait.ge [sflag:s7], $0x64  }
0x18f: {  	[sflag:s7] =	ssyncset.done $0x0  }
0x190: {  	[sflag:s7] =	ssyncadd.s32 $0xFFFFFF9C  }
0x191: {  	_ =	swait.ge [sflag:s7], $0x64  }
0x192: {  	[sflag:s7] =	ssyncset.done $0x0  }
0x193: {  	[sflag:s7] =	ssyncadd.s32 $0xFFFFFF9C  }
0x194: {  	_ =	swait.ge [sflag:s7], $0x64  }
0x195: {  	[sflag:s7] =	ssyncset.done $0x0  }
0x196: {  	[sflag:s7] =	ssyncadd.s32 $0xFFFFFF9C  }
0x197: {  	_ =	swait.ge [sflag:s7], $0x64  }
0x198: {  	[sflag:s7] =	ssyncset.done $0x0  }
0x199: {  	[sflag:s7] =	ssyncadd.s32 $0xFFFFFF9C  }
0x19a: {  	_ =	swait.ge [sflag:s7], $0x64  }
0x19b: {  	[sflag:s7] =	ssyncset.done $0x0  }
0x19c: {  	[sflag:s7] =	ssyncadd.s32 $0xFFFFFF9C  }
0x19d: {  	_ =	swait.ge [sflag:s7], $0x64  }
0x19e: {  	[sflag:s7] =	ssyncset.done $0x0  }
0x19f: {  	[sflag:s7] =	ssyncadd.s32 $0xFFFFFF9C  }
0x1a0: {  	_ =	swait.ge [sflag:s7], $0x64  }
0x1a1: {  	[sflag:s7] =	ssyncset.done $0x0  }
0x1a2: {  	[sflag:s7] =	ssyncadd.s32 $0xFFFFFF9C  }
0x1a3: {  	_ =	swait.ge [sflag:s7], $0x64  }
0x1a4: {  	[sflag:s7] =	ssyncset.done $0x0  }
0x1a5: {  	[sflag:s7] =	ssyncadd.s32 $0xFFFFFF9C  }
0x1a6: {  	[bflag:$0x0] =	sbarrier.arrive $0xFFFF  }
0x1a7: {  	s13 =	rddreg [dreg:$0x9]  }
0x1a8: {  	s9 =	rddreg [dreg:$0xa]  }
0x1a9: {  	s8 =	rddreg [dreg:$0xc]  }
0x1aa: {  	[hbm:s9], [sflag:s13] =	dma.local [spmem:s8], $0x50  }
0x1ab: {  	_ =	swait.ge [sflag:s10], $0x50  }
0x1ac: {  	s9 =	rddreg [dreg:$0xd]  }
0x1ad: {  	s6 =	rddreg [dreg:$0xb];
	s9 =	sadd.s32 $0x1, s9  }
0x1ae: {  	p0 =	sne.s32 s9, s6  }
.Ltmp1:
0x1af: {  	_ = 	snop;
	(pc) =	sbr.rel @p0 .LBB2_1-.Ltmp1, $3  }
0x1b0: {  	_ =	sdelay $0x1  }
0x1b1: {  	[sflag:s10] =	ssyncset.done $0x0  }
0x1b2: {  	[sflag:s10] =	ssyncadd.s32 $0xFFFFFFB0  }
0x1b3: {  	_ =	sfence.sel $0x180000  }
0x1b4: {  	[bflag:$0x0] =	sbarrier.arrive $0xFFFF  }
0x1b5: {  	_ =	strace $0x90000047  }
0x1b6: {  	s0 =	stileid.u32;
	[bflag:$0x2] =	sbarrier.arrive $0xFFFF  }
0x1b7: {  	p0 =	sne.s32 s0, $0x0;
	s0 =	rddreg [dreg:$0x3]  }
0x1b8: {  	s0 =	sadd.s32 @!p0 $0x100000, s0  }
0x1b9: {  	[sflag:s0] =	ssyncadd.tile.s32 @!p0 $0x1;
	_ =	shalt  }
.Lfunc_end2:
_tile_overlayer_lowered:
.L_overlay_start_2:
0x1ba: {  	(tag) =	ssettag $0x2  }
0x1bb: {  	s0 =	rddreg [dreg:$0x0];
	s2 =	stileid.u32  }
0x1bc: {  	s1 =	rddreg [dreg:$0x1];
	p0 =	sne.s32 s2, $0x0  }
0x1bd: {  	s3 =	rddreg [dreg:$0x2];
	[bflag:$0x3] =	sbarrier.arrive $0xFFFF;
	s2 =	simm.s32 @!p0 $0x1C02  }
0x1be: {  	[timem:s3], [sflag:s2] =	dma.local @!p0 [hbm:s0], s1  }
0x1bf: {  	s0 =	simm.s32 @!p0 $0x2  }
0x1c0: {  	_ =	swait.ge @!p0 [sflag:s0], s1  }
0x1c1: {  	s1 =	ssub.s32 @!p0 $0x0, s1;
	[sflag:s0] =	ssyncset.done @!p0 $0x0  }
0x1c2: {  	[sflag:s0] =	ssyncadd.s32 @!p0 s1  }
0x1c3: {  	[bflag:$0x3] =	sbarrier.arrive $0xFFFF  }
0x1c4: {  	_ =	shalt  }

// kernel: kernel.9.cloned.1.call-start
scs
__scs_entry_jumppad:
0x0: {  	(pc) =	sbr.rel $0x88, $3  }
0x1: {  	(tag) =	ssettag $0x0;
	lr =	simm.s32 $0x1  }
0x2: {  	[smem:$0x3F9C] =	sst lr;
	_ =	strace $0xD0000000  }
0x3: {  	_ = 	snop  }
0x4: {  	_ = 	snop  }
0x5: {  	_ = 	snop  }
0x6: {  	_ = 	snop  }
0x7: {  	_ = 	snop  }
__scs_overlays_trampoline_lowered:
0x8: {  	[smem:$0x3FAB] =	sst s0  }
0x9: {  	[smem:$0x3FAC] =	sst s1  }
0xa: {  	[smem:$0x3FAD] =	sst s2  }
0xb: {  	[smem:$0x3FAE] =	sst s3  }
0xc: {  	[smem:$0x3FAF] =	sst s4  }
0xd: {  	[smem:$0x3FB0] =	sst s5  }
0xe: {  	[smem:$0x3FB1] =	sst s6  }
0xf: {  	[smem:$0x3FB2] =	sst s7  }
0x10: {  	[smem:$0x3FB3] =	sst s8  }
0x11: {  	[smem:$0x3FB4] =	sst s9;
	s0 =	simm.s32 @!p0 $0x0  }
0x12: {  	s1 =	sld [smem:$0x3F9A];
	s0 =	simm.s32 @p0 $0x1  }
0x13: {  	[smem:$0x3FB5] =	sst s0;
	s0 =	simm.s32 @!p1 $0x0  }
0x14: {  	s2 =	sld [smem:$0x3F99];
	s0 =	simm.s32 @p1 $0x1  }
0x15: {  	[smem:$0x3FB6] =	sst s0;
	s0 =	simm.s32 @!p2 $0x0  }
0x16: {  	s3 =	sld [smem:$0x3FDB];
	s0 =	simm.s32 @p2 $0x1  }
0x17: {  	s4 =	simm.s32 $0x1BF5;
	[smem:$0x3FB8] =	sst s0  }
0x18: {  	s0 =	sld [smem:$0x3F9B];
	_ =	swait.ge [sflag:s4], $0x0  }
0x19: {  	s7 =	sld [smem:$0x3F9C]  }
0x1a: {  	s8 =	sadd.s32 $0xFFFFE003, lr  }
0x1b: {  	s9 =	sadd.s32 $0xFFFFFEF7, lr;
	s5 =	simm.s32 $0xFFFFFFFF;
	p2 =	slt.u32 s8, $0xFFFFF086  }
0x1c: {  	p1 =	slt.u32 s9, $0xF7A;
	s5 =	simm.s32 @!p2 $0x0  }
0x1d: {  	s5 =	simm.s32 @p1 $0x1;
	p0 =	seq.s32 s7, s2  }
0x1e: {  	s7 =	smul.u32 @!p0 $0xF7A, s2;
	p2 =	seq.s32 @!p0 s5, $0x0  }
0x1f: {  	s9 =	smul.u32 $0xF7A, s1;
	s8 =	simm.s32 @!p0 $0x1BF5;
	p2 =	por !p2, p0  }
0x20: {  	[sflag:s8] =	ssyncset.s32 @!p0 $0xFFFFF086;
	s6 =	sadd.s32 @!p0 s3, s7;
	s7 =	simm.s32 @!p0 $0x108  }
0x21: {  	s3 =	sadd.s32 s3, s9;
	s6 =	sadd.s32 @!p0 $0x88, s6;
	s7 =	simm.s32 @p2 $0x1082  }
0x22: {  	[simem:s7], [sflag:s8] =	dma.local @!p0 [hbm:s6], $0xF7A  }
0x23: {  	s9 =	sor.u32 $0xD0000000, s2;
	s6 =	simm.s32 $0x108;
	_ =	swait.ge @!p0 [sflag:s8], $0x0  }
0x24: {  	s3 =	sadd.s32 $0x88, s3;
	s6 =	simm.s32 @!p1 $0x1082;
	[sflag:s4] =	ssyncset.s32 $0xFFFFF086  }
0x25: {  	[simem:s6], [sflag:s4] =	dma.local [hbm:s3], $0xF7A  }
0x26: {  	[smem:$0x3F9C] =	sst s1;
	(tag) =	ssettag s2;
	_ =	strace s9  }
0x27: {  	s1 =	sld [smem:$0x3FAC]  }
0x28: {  	s2 =	sld [smem:$0x3FAD]  }
0x29: {  	s4 =	sld [smem:$0x3FAF]  }
0x2a: {  	p0 =	seq.s32 s5, $0x0;
	s5 =	sld [smem:$0x3FB0]  }
0x2b: {  	s6 =	sld [smem:$0x3FB1]  }
0x2c: {  	s7 =	sld [smem:$0x3FB2]  }
0x2d: {  	s3 =	simm.s32 $0x108;
	s8 =	sld [smem:$0x3FB3]  }
0x2e: {  	s3 =	simm.s32 @!p0 $0x1082;
	s9 =	sld [smem:$0x3FB4]  }
0x2f: {  	lr =	sadd.s32 s0, s3;
	s0 =	sld [smem:$0x3FAB]  }
0x30: {  	s3 =	sld [smem:$0x3FAE]  }
0x31: {  	[smem:$0x3FB7] =	sst s10  }
0x32: {  	s10 =	sld [smem:$0x3FB5];
	_ =	sdelay $0x3  }
0x33: {  	p0 =	seq.s32 s10, $0x1;
	s10 =	sld [smem:$0x3FB7];
	_ =	sdelay $0x3  }
0x34: {  	[smem:$0x3FB7] =	sst s10  }
0x35: {  	s10 =	sld [smem:$0x3FB6];
	_ =	sdelay $0x3  }
0x36: {  	p1 =	seq.s32 s10, $0x1;
	s10 =	sld [smem:$0x3FB7];
	_ =	sdelay $0x3  }
0x37: {  	[smem:$0x3FB7] =	sst s10  }
0x38: {  	s10 =	sld [smem:$0x3FB8]  }
0x39: {  	_ = 	snop;
	(pc) =	sbr.ind lr, $3  }
0x3a: {  	_ = 	snop  }
0x3b: {  	_ = 	snop  }
0x3c: {  	p2 =	seq.s32 s10, $0x1;
	s10 =	sld [smem:$0x3FB7]  }
0x3d: {  	_ =	shalt  }
0x3e: {  	_ =	shalt  }
0x3f: {  	_ =	shalt  }
0x40: {  	_ =	shalt  }
0x41: {  	_ =	shalt  }
0x42: {  	_ =	shalt  }
0x43: {  	_ =	shalt  }
0x44: {  	_ =	shalt  }
0x45: {  	_ =	shalt  }
0x46: {  	_ =	shalt  }
0x47: {  	_ =	shalt  }
0x48: {  	_ =	shalt  }
0x49: {  	_ =	shalt  }
0x4a: {  	_ =	shalt  }
0x4b: {  	_ =	shalt  }
0x4c: {  	_ =	shalt  }
0x4d: {  	_ =	shalt  }
0x4e: {  	_ =	shalt  }
0x4f: {  	_ =	shalt  }
0x50: {  	_ =	shalt  }
0x51: {  	_ =	shalt  }
0x52: {  	_ =	shalt  }
0x53: {  	_ =	shalt  }
0x54: {  	_ =	shalt  }
0x55: {  	_ =	shalt  }
0x56: {  	_ =	shalt  }
0x57: {  	_ =	shalt  }
0x58: {  	_ =	shalt  }
0x59: {  	_ =	shalt  }
0x5a: {  	_ =	shalt  }
0x5b: {  	_ =	shalt  }
0x5c: {  	_ =	shalt  }
0x5d: {  	_ =	shalt  }
0x5e: {  	_ =	shalt  }
0x5f: {  	_ =	shalt  }
0x60: {  	_ =	shalt  }
0x61: {  	_ =	shalt  }
0x62: {  	_ =	shalt  }
0x63: {  	_ =	shalt  }
0x64: {  	_ =	shalt  }
0x65: {  	_ =	shalt  }
0x66: {  	_ =	shalt  }
0x67: {  	_ =	shalt  }
0x68: {  	_ =	shalt  }
0x69: {  	_ =	shalt  }
0x6a: {  	_ =	shalt  }
0x6b: {  	_ =	shalt  }
0x6c: {  	_ =	shalt  }
0x6d: {  	_ =	shalt  }
0x6e: {  	_ =	shalt  }
0x6f: {  	_ =	shalt  }
0x70: {  	_ =	shalt  }
0x71: {  	_ =	shalt  }
0x72: {  	_ =	shalt  }
0x73: {  	_ =	shalt  }
0x74: {  	_ =	shalt  }
0x75: {  	_ =	shalt  }
0x76: {  	_ =	shalt  }
0x77: {  	_ =	shalt  }
0x78: {  	_ =	shalt  }
0x79: {  	_ =	shalt  }
0x7a: {  	_ =	shalt  }
0x7b: {  	_ =	shalt  }
0x7c: {  	_ =	shalt  }
0x7d: {  	_ =	shalt  }
0x7e: {  	_ =	shalt  }
0x7f: {  	_ =	shalt  }
0x80: {  	_ =	shalt  }
0x81: {  	_ =	shalt  }
0x82: {  	_ =	shalt  }
0x83: {  	_ =	shalt  }
0x84: {  	_ =	shalt  }
0x85: {  	_ =	shalt  }
0x86: {  	_ =	shalt  }
0x87: {  	_ =	shalt  }
.Lfunc_end0:
.L_simem_size_0:
called_computation.1_lowered:
.L_overlay_start_0:
0x88: {  	s2 =	sld [smem:$0x3FD9]  }
0x89: {  	s3 =	sld [smem:$0x3FFE];
	_ =	sdelay $0x1  }
0x8a: {  	s1 =	srdreg.scid  }
0x8b: {  	s0 =	sand.u32 $0x1, s1  }
0x8c: {  	s17 =	sshll.u32 s0, $0xA;
	s2 =	sadd.s32 s3, s2  }
0x8d: {  	s2 =	sadd.s32 s2, s17  }
0x8e: {  	[smem:$0x3FC3] =	sst s2  }
0x8f: {  	_ = 	snop  }
0x90: {  	s2 =	sld [smem:$0x3FD0];
	(tm) =	ssettm $0x1  }
0x91: {  	s18 =	sld [smem:$0x3FFB];
	_ =	sdelay $0x3  }
0x92: {  	_ =	strace s18  }
0x93: {  	s3 =	sld [smem:$0x3FFC];
	_ =	sdelay $0x3  }
0x94: {  	_ =	strace s3  }
0x95: {  	s3 =	sld [smem:$0x3FFD];
	_ =	sdelay $0x3  }
0x96: {  	_ =	strace s3  }
0x97: {  	_ =	strace $0x8FFFFFFF  }
0x98: {  	s19 =	sld [smem:$0x3FDB];
	_ =	sdelay $0x1  }
0x99: {  	s4 =	simm.s32 $_scs_section_size  }
0x9a: {  	s5 =	simm.s32 $_size__tile_overlayer_lowered;
	s6 =	simm.s32 $_tile_overlayer_lowered  }
0x9b: {  	s22 =	simm.s32 $0x1BFF;
	s21 =	sshll.u32 s6, $0x1;
	s3 =	sadd.s32 s4, s19  }
0x9c: {  	s7 =	simm.s32 $0x0;
	s20 =	sshll.u32 s5, $0x1;
	s5 =	sadd.s32 s21, s3  }
0x9d: {  	[timem:s7], [sflag:s22] =	dma.local [hbm:s5], s20  }
0x9e: {  	_ =	swait.ge [sflag:s22], s20  }
0x9f: {  	s4 =	ssub.s32 $0x0, s20;
	[sflag:s22] =	ssyncset.done $0x0  }
0xa0: {  	[sflag:s22] =	ssyncadd.s32 s4;
	_ =	sdelay $0x1  }
0xa1: {  	s23 =	simm.s32 $0x1B8B  }
0xa2: {  	_ =	swait.ge [sflag:s23], $0x1  }
0xa3: {  	[sflag:s23] =	ssyncset.done $0x0  }
0xa4: {  	s25 =	simm.s32 $0x1B8E;
	s24 =	sld [smem:$0x3FFE];
	[sflag:s23] =	ssyncadd.s32 $0xFFFFFFFF  }
0xa5: {  	s26 =	simm.s32 $execute0_lowered;
	[smem:$0x3FD2] =	sst s25  }
0xa6: {  	s5 =	sshll.u32 s26, $0x1;
	_ =	strace $0x80000049;
	[dreg:$0x1] =	wrdreg $0xFFFFFFFF  }
0xa7: {  	s28 =	simm.s32 $_size_execute0_lowered;
	s3 =	sadd.s32 s3, s5;
	[dreg:$0x0] =	wrdreg $0x0  }
0xa8: {  	s5 =	sshll.u32 s28, $0x1;
	[dreg:$0x2] =	wrdreg s3  }
0xa9: {  	[dreg:$0x3] =	wrdreg s5  }
0xaa: {  	[dreg:$0x4] =	wrdreg $0xC0  }
0xab: {  	_ =	task [dreg:s7], $0x5FFFF  }
0xac: {  	[dreg:$0x1] =	wrdreg $0xFFFFFFFF  }
0xad: {  	[dreg:$0x0] =	wrdreg $0x60  }
0xae: {  	[dreg:$0x2] =	wrdreg s24  }
0xaf: {  	[dreg:$0x3] =	wrdreg s2  }
0xb0: {  	[dreg:$0x4] =	wrdreg $0xBC000  }
0xb1: {  	[dreg:$0x5] =	wrdreg $0x9  }
0xb2: {  	_ =	task.clear_ibuf [dreg:s7], $0x6FFFF;
	_ =	strace $0x90000049  }
0xb3: {  	s29 =	simm.s32 $0x9;
	_ =	strace $0x8000004B  }
0xb4: {  	_ =	swait.ge [sflag:s29], $0x1  }
0xb5: {  	[sflag:s29] =	ssyncadd.s32 $0xFFFFFFFF  }
0xb6: {  	_ =	strace $0x9000004B  }
0xb7: {  	_ =	sfence  }
0xb8: {  	s30 =	sld [smem:$0x0];
	_ =	sdelay $0x2  }
0xb9: {  	s31 =	sshll.u32 s1, $0xD;
	s1 =	sshrl.u32 s1, $0x2  }
0xba: {  	s3 =	sand.u32 $0x4000, s31;
	s1 =	sadd.s32 s1, s30  }
0xbb: {  	s0 =	sor.u32 s3, s0;
	s1 =	sshll.u32 s1, $0x11  }
0xbc: {  	s0 =	sor.u32 s1, s0  }
0xbd: {  	s0 =	sadd.s32 $0x8F2B, s0  }
0xbe: {  	[sflag:s0] =	ssyncadd.remote.s32 $0x1  }
0xbf: {  	_ =	sfence.sel $0xFFFF  }
0xc0: {  	[dreg:$0x0] =	wrdreg $0xFFFFFFFF;
	(pc) =	sbr.abs _section_cstart, $3  }
0xc1: {  	[dreg:$0x1] =	wrdreg $0xFFFFFFFF  }
0xc2: {  	_ =	task.clear_ibuf [dreg:s7], $0x2FFFF;
	_ =	strace $0x9FFFFFFF  }
0xc3: {  	(tm) =	ssettm $0x7FFFFFFF  }
tec
execute0_lowered:
.L_overlay_start_1:
0x0: {  	(tag) =	ssettag $0x1  }
0x1: {  	s0 =	rddreg [dreg:$0x0]  }
0x2: {  	s1 =	rddreg [dreg:$0x1]  }
0x3: {  	s3 =	rddreg [dreg:$0x2];
	s4 =	simm.s32 $0x0  }
0x4: {  	s7 =	simm.s32 $0x80;
	[smem:$0x7FF] =	sst s4  }
0x5: {  	s9 =	sadd.s32 $0x22200, s0;
	_ =	strace $0x8000004A;
	[dreg:$0x6] =	wrdreg s7  }
0x6: {  	s8 =	simm.s32 $0x100;
	[smem:$0x7EC] =	sst s9  }
0x7: {  	s11 =	simm.s32 $0x1080;
	[dreg:$0x7] =	wrdreg s8  }
0x8: {  	s12 =	simm.s32 $0x180;
	[dreg:$0x8] =	wrdreg s11  }
0x9: {  	s14 =	simm.s32 $0x1100;
	[dreg:$0x9] =	wrdreg s12  }
0xa: {  	s15 =	simm.s32 $0x200;
	[dreg:$0xa] =	wrdreg s14  }
0xb: {  	s2 =	srdreg.scid;
	s16 =	simm.s32 $0x1180;
	[dreg:$0xb] =	wrdreg s15  }
0xc: {  	s10 =	stileid.u32;
	s17 =	simm.s32 $0x280;
	[dreg:$0xc] =	wrdreg s16  }
0xd: {  	s19 =	simm.s32 $0x1200;
	s20 =	simm.s32 $0x300;
	[dreg:$0xd] =	wrdreg s17  }
0xe: {  	s21 =	simm.s32 $0x1280;
	s23 =	simm.s32 $0x380;
	[dreg:$0xe] =	wrdreg s19  }
0xf: {  	s24 =	simm.s32 $0x1300;
	s25 =	simm.s32 $0x400;
	[dreg:$0xf] =	wrdreg s20  }
0x10: {  	s26 =	simm.s32 $0x1380;
	s28 =	simm.s32 $0xA80;
	[dreg:$0x10] =	wrdreg s21  }
0x11: {  	s29 =	simm.s32 $0x1A00;
	s30 =	simm.s32 $0xB00;
	[dreg:$0x11] =	wrdreg s23  }
0x12: {  	s31 =	simm.s32 $0x1A80;
	s2 =	sand.u32 $0x1, s2;
	[dreg:$0x12] =	wrdreg s24  }
0x13: {  	s6 =	sshll.u32 s10, $0xB;
	s22 =	smul.u32 $0x13C00, s10;
	[dreg:$0x13] =	wrdreg s25  }
0x14: {  	p0 =	seq.s32 s10, $0xF;
	[dreg:$0x14] =	wrdreg s26;
	s11 =	simm.s32 $0x480  }
0x15: {  	s5 =	sshll.u32 s2, $0xF;
	s12 =	simm.s32 $0x1400;
	[dreg:$0x15] =	wrdreg s11  }
0x16: {  	s13 =	ssub.s32 $0x2, s2;
	s14 =	simm.s32 $0x1480;
	[dreg:$0x16] =	wrdreg s12  }
0x17: {  	s8 =	smul.u32 $0x4F000, s10;
	s16 =	simm.s32 $0x580;
	[dreg:$0x18] =	wrdreg s14  }
0x18: {  	s2 =	smul.u32 $0x138800, s2;
	s17 =	simm.s32 $0x1500;
	[dreg:$0x19] =	wrdreg s16  }
0x19: {  	s9 =	sadd.s32 $0x128400, s3;
	s19 =	simm.s32 $0x1580;
	[dreg:$0x1a] =	wrdreg s17  }
0x1a: {  	s20 =	simm.s32 $0x680;
	s21 =	simm.s32 $0x1600;
	[dreg:$0x1c] =	wrdreg s19  }
0x1b: {  	s23 =	simm.s32 $0x1680;
	s24 =	simm.s32 $0x780;
	[dreg:$0x1d] =	wrdreg s20  }
0x1c: {  	s25 =	simm.s32 $0x1700;
	s26 =	simm.s32 $0x800;
	[dreg:$0x1e] =	wrdreg s21  }
0x1d: {  	s5 =	sadd.s32 s5, s0;
	s0 =	sadd.s32 $0x24A00, s0;
	[smem:$0x7F2] =	sst s23  }
0x1e: {  	s7 =	sshrl.u32 s13, $0x1;
	s12 =	simm.s32 $0x7;
	[smem:$0x7F3] =	sst s24  }
0x1f: {  	s14 =	simm.s32 $0x64;
	s16 =	simm.s32 $0x5400;
	[smem:$0x7F4] =	sst s25  }
0x20: {  	s17 =	simm.s32 $0x1;
	[smem:$0x7F5] =	sst s26;
	s19 =	simm.s32 $0x2  }
0x21: {  	s20 =	simm.s32 $0x4;
	s21 =	simm.s32 $0x3;
	s5 =	sadd.s32 s6, s5  }
0x22: {  	s18 =	sshrl.u32 s8, $0x2;
	s8 =	sadd.s32 s22, s2;
	s22 =	simm.s32 $0x700  }
0x23: {  	s23 =	simm.s32 $0x6;
	s6 =	sadd.s32 $0x1A00, s5;
	[dreg:$0x1f] =	wrdreg s22  }
0x24: {  	s5 =	sadd.s32 $0x12200, s5;
	s8 =	sshrl.u32 s8, $0x3;
	[dreg:$0x4] =	wrdreg s6  }
0x25: {  	s2 =	sshrl.u32 s2, $0x3;
	[dreg:$0x5] =	wrdreg s5;
	s8 =	sadd.s32 s0, s8  }
0x26: {  	s6 =	ssub.s32 s13, s7;
	s13 =	simm.s32 $0x500;
	[smem:$0x7ED] =	sst s8  }
0x27: {  	s0 =	sadd.s32 s0, s2;
	s2 =	sshrl.u32 @p0 s9, $0x3;
	[dreg:$0x17] =	wrdreg s13  }
0x28: {  	s7 =	sadd.s32 s18, s3;
	s18 =	simm.s32 $0x600;
	[smem:$0x7F0] =	sst s2  }
0x29: {  	s24 =	simm.s32 $0x1900;
	s5 =	simm.s32 $0x880;
	[dreg:$0x1b] =	wrdreg s18  }
0x2a: {  	s25 =	simm.s32 $0xA00;
	s9 =	simm.s32 $0x980;
	[smem:$0x7F7] =	sst s5  }
0x2b: {  	s26 =	simm.s32 $0x1980;
	s0 =	sadd.s32 $0x25080, s0;
	[smem:$0x7FB] =	sst s9  }
0x2c: {  	s22 =	simm.s32 $0x5;
	s15 =	smax.u32 s6, $0x1;
	[smem:$0x7EE] =	sst s0  }
0x2d: {  	s2 =	sshll.u32 @!p0 s10, $0x6;
	s6 =	simm.s32 $0x1800;
	[smem:$0x7EF] =	sst s15  }
0x2e: {  	s11 =	sshrl.u32 @!p0 s7, $0x3;
	s7 =	simm.s32 $0x900;
	[smem:$0x7F8] =	sst s6  }
0x2f: {  	s13 =	simm.s32 $0x1000;
	s8 =	simm.s32 $0x1880;
	[smem:$0x7F9] =	sst s7  }
0x30: {  	s18 =	simm.s32 $0x8800;
	s10 =	simm.s32 $0x0;
	[smem:$0x7FA] =	sst s8  }
0x31: {  	s2 =	sor.u32 @!p0 $0x1C07, s2;
	s15 =	simm.s32 $0x2000;
	[smem:$0x7FC] =	sst s10  }
0x32: {  	s0 =	simm.s32 $0xB80;
	s6 =	simm.s32 $0xC00;
	[smem:$0x7FD] =	sst s11  }
0x33: {  	s7 =	simm.s32 $0x1B80;
	[smem:$0x7F1] =	sst s2;
	s2 =	simm.s32 $0x1780  }
0x34: {  	s8 =	simm.s32 $0x1C00;
	[smem:$0x7F6] =	sst s2;
	s2 =	simm.s32 $0x1B00  }
.LBB2_1:
0x35: {  	s5 =	sld [smem:$0x7EC]  }
0x36: {  	s10 =	sld [smem:$0x7F0];
	_ =	sdelay $0x1  }
0x37: {  	s9 =	simm.s32 @p0 $0x1FC7  }
0x38: {  	[spmem:s10], [sflag:s9] =	dma.local @p0 [hbm:s5], $0x2080  }
0x39: {  	s9 =	simm.s32 @p0 $0x7  }
0x3a: {  	_ =	swait.ge @p0 [sflag:s9], $0x2080  }
0x3b: {  	[sflag:s9] =	ssyncset.done @p0 $0x0  }
0x3c: {  	[sflag:s9] =	ssyncadd.s32 @p0 $0xFFFFDF80;
	s9 =	sld [smem:$0x7F1];
	_ =	sdelay $0x2  }
0x3d: {  	[spmem:s11], [sflag:s9] =	dma.local @!p0 [hbm:s5], $0x2780  }
0x3e: {  	s9 =	simm.s32 @!p0 $0x7  }
0x3f: {  	_ =	swait.ge @!p0 [sflag:s9], $0x2780  }
0x40: {  	[sflag:s9] =	ssyncset.done @!p0 $0x0  }
0x41: {  	[sflag:s9] =	ssyncadd.s32 @!p0 $0xFFFFD880  }
0x42: {  	[bflag:$0x0] =	sbarrier.arrive $0xFFFF  }
0x43: {  	s10 =	rddreg [dreg:$0x5]  }
0x44: {  	s9 =	sadd.s32 $0x0, s10  }
0x45: {  	[tilespmem:s4], [sflag:$0x7] =	stream.linear.gather [hbm4b:s9+s4], $0xC80, $0x38;
	[tilespmem:$0x1F800] =	vst v63  }
0x46: {  	_ =	swait.ge [sflag:s12], $0xC80  }
0x47: {  	s11 =	rddreg [dreg:$0x4];
	[sflag:s12] =	ssyncset.done $0x0  }
0x48: {  	[sflag:s12] =	ssyncadd.s32 $0xFFFFF380;
	s9 =	sadd.s32 $0x0, s11  }
0x49: {  	[tilespmem:s13], [sflag:$0x7] =	stream.linear.gather [hbm4b:s9+s4], $0xC80, $0x38;
	[tilespmem:$0x1F800] =	vst v63  }
0x4a: {  	_ =	swait.ge [sflag:s12], $0xC80  }
0x4b: {  	[sflag:s12] =	ssyncset.done $0x0  }
0x4c: {  	[sflag:s12] =	ssyncadd.s32 $0xFFFFF380  }
0x4d: {  	[tilespmem:s15], [sflag:$0x1] =	stream.indirect.gather [hbm4b:s1+s14], $0x80, s4, s14, $0xb8;
	[tilespmem:$0x1F800] =	vst v63  }
0x4e: {  	s5 =	rddreg [dreg:$0x6]  }
0x4f: {  	[tilespmem:s16], [sflag:$0x2] =	stream.indirect.gather [hbm4b:s1+s14], $0x80, s5, s14, $0xb8;
	[tilespmem:$0x1F800] =	vst v63  }
0x50: {  	_ =	swait.ge [sflag:s17], $0x3200  }
0x51: {  	[sflag:s17] =	ssyncset.done $0x0  }
0x52: {  	[sflag:s17] =	ssyncadd.s32 $0xFFFFCE00  }
0x53: {  	[spmem:s3] =	stream.indirect.scatter.add.f32 [tilespmem:s15], [sflag:$0x4], $0x80, s13, s14, $0xb8;
	[tilespmem:$0x1F800] =	vst v63  }
0x54: {  	s10 =	rddreg [dreg:$0x7]  }
0x55: {  	[tilespmem:s18], [sflag:$0x3] =	stream.indirect.gather [hbm4b:s1+s14], $0x80, s10, s14, $0xb8;
	[tilespmem:$0x1F800] =	vst v63  }
0x56: {  	_ =	swait.ge [sflag:s19], $0x3200  }
0x57: {  	[sflag:s19] =	ssyncset.done $0x0  }
0x58: {  	s11 =	rddreg [dreg:$0x8];
	[sflag:s19] =	ssyncadd.s32 $0xFFFFCE00  }
0x59: {  	[spmem:s3] =	stream.indirect.scatter.add.f32 [tilespmem:s16], [sflag:$0x5], $0x80, s11, s14, $0xb8;
	[tilespmem:$0x1F800] =	vst v63  }
0x5a: {  	_ =	swait.ge [sflag:s20], $0x3200  }
0x5b: {  	[sflag:s20] =	ssyncset.done $0x0  }
0x5c: {  	s5 =	rddreg [dreg:$0x9];
	[sflag:s20] =	ssyncadd.s32 $0xFFFFCE00  }
0x5d: {  	[tilespmem:s15], [sflag:$0x1] =	stream.indirect.gather [hbm4b:s1+s14], $0x80, s5, s14, $0xb8;
	[tilespmem:$0x1F800] =	vst v63  }
0x5e: {  	_ =	swait.ge [sflag:s21], $0x3200  }
0x5f: {  	[sflag:s21] =	ssyncset.done $0x0  }
0x60: {  	s10 =	rddreg [dreg:$0xa];
	[sflag:s21] =	ssyncadd.s32 $0xFFFFCE00  }
0x61: {  	[spmem:s3] =	stream.indirect.scatter.add.f32 [tilespmem:s18], [sflag:$0x6], $0x80, s10, s14, $0xb8;
	[tilespmem:$0x1F800] =	vst v63  }
0x62: {  	_ =	swait.ge [sflag:s22], $0x3200  }
0x63: {  	[sflag:s22] =	ssyncset.done $0x0  }
0x64: {  	s11 =	rddreg [dreg:$0xb];
	[sflag:s22] =	ssyncadd.s32 $0xFFFFCE00  }
0x65: {  	[tilespmem:s16], [sflag:$0x2] =	stream.indirect.gather [hbm4b:s1+s14], $0x80, s11, s14, $0xb8;
	[tilespmem:$0x1F800] =	vst v63  }
0x66: {  	_ =	swait.ge [sflag:s17], $0x3200  }
0x67: {  	[sflag:s17] =	ssyncset.done $0x0  }
0x68: {  	s5 =	rddreg [dreg:$0xc];
	[sflag:s17] =	ssyncadd.s32 $0xFFFFCE00  }
0x69: {  	[spmem:s3] =	stream.indirect.scatter.add.f32 [tilespmem:s15], [sflag:$0x4], $0x80, s5, s14, $0xb8;
	[tilespmem:$0x1F800] =	vst v63  }
0x6a: {  	_ =	swait.ge [sflag:s23], $0x3200  }
0x6b: {  	[sflag:s23] =	ssyncset.done $0x0  }
0x6c: {  	s10 =	rddreg [dreg:$0xd];
	[sflag:s23] =	ssyncadd.s32 $0xFFFFCE00  }
0x6d: {  	[tilespmem:s18], [sflag:$0x3] =	stream.indirect.gather [hbm4b:s1+s14], $0x80, s10, s14, $0xb8;
	[tilespmem:$0x1F800] =	vst v63  }
0x6e: {  	_ =	swait.ge [sflag:s19], $0x3200  }
0x6f: {  	[sflag:s19] =	ssyncset.done $0x0  }
0x70: {  	s11 =	rddreg [dreg:$0xe];
	[sflag:s19] =	ssyncadd.s32 $0xFFFFCE00  }
0x71: {  	[spmem:s3] =	stream.indirect.scatter.add.f32 [tilespmem:s16], [sflag:$0x5], $0x80, s11, s14, $0xb8;
	[tilespmem:$0x1F800] =	vst v63  }
0x72: {  	_ =	swait.ge [sflag:s20], $0x3200  }
0x73: {  	[sflag:s20] =	ssyncset.done $0x0  }
0x74: {  	s5 =	rddreg [dreg:$0xf];
	[sflag:s20] =	ssyncadd.s32 $0xFFFFCE00  }
0x75: {  	[tilespmem:s15], [sflag:$0x1] =	stream.indirect.gather [hbm4b:s1+s14], $0x80, s5, s14, $0xb8;
	[tilespmem:$0x1F800] =	vst v63  }
0x76: {  	_ =	swait.ge [sflag:s21], $0x3200  }
0x77: {  	[sflag:s21] =	ssyncset.done $0x0  }
0x78: {  	s10 =	rddreg [dreg:$0x10];
	[sflag:s21] =	ssyncadd.s32 $0xFFFFCE00  }
0x79: {  	[spmem:s3] =	stream.indirect.scatter.add.f32 [tilespmem:s18], [sflag:$0x6], $0x80, s10, s14, $0xb8;
	[tilespmem:$0x1F800] =	vst v63  }
0x7a: {  	_ =	swait.ge [sflag:s22], $0x3200  }
0x7b: {  	[sflag:s22] =	ssyncset.done $0x0  }
0x7c: {  	s11 =	rddreg [dreg:$0x11];
	[sflag:s22] =	ssyncadd.s32 $0xFFFFCE00  }
0x7d: {  	[tilespmem:s16], [sflag:$0x2] =	stream.indirect.gather [hbm4b:s1+s14], $0x80, s11, s14, $0xb8;
	[tilespmem:$0x1F800] =	vst v63  }
0x7e: {  	_ =	swait.ge [sflag:s17], $0x3200  }
0x7f: {  	[sflag:s17] =	ssyncset.done $0x0  }
0x80: {  	s5 =	rddreg [dreg:$0x12];
	[sflag:s17] =	ssyncadd.s32 $0xFFFFCE00  }
0x81: {  	[spmem:s3] =	stream.indirect.scatter.add.f32 [tilespmem:s15], [sflag:$0x4], $0x80, s5, s14, $0xb8;
	[tilespmem:$0x1F800] =	vst v63  }
0x82: {  	_ =	swait.ge [sflag:s23], $0x3200  }
0x83: {  	[sflag:s23] =	ssyncset.done $0x0  }
0x84: {  	s10 =	rddreg [dreg:$0x13];
	[sflag:s23] =	ssyncadd.s32 $0xFFFFCE00  }
0x85: {  	[tilespmem:s18], [sflag:$0x3] =	stream.indirect.gather [hbm4b:s1+s14], $0x80, s10, s14, $0xb8;
	[tilespmem:$0x1F800] =	vst v63  }
0x86: {  	_ =	swait.ge [sflag:s19], $0x3200  }
0x87: {  	[sflag:s19] =	ssyncset.done $0x0  }
0x88: {  	s11 =	rddreg [dreg:$0x14];
	[sflag:s19] =	ssyncadd.s32 $0xFFFFCE00  }
0x89: {  	[spmem:s3] =	stream.indirect.scatter.add.f32 [tilespmem:s16], [sflag:$0x5], $0x80, s11, s14, $0xb8;
	[tilespmem:$0x1F800] =	vst v63  }
0x8a: {  	_ =	swait.ge [sflag:s20], $0x3200  }
0x8b: {  	[sflag:s20] =	ssyncset.done $0x0  }
0x8c: {  	s5 =	rddreg [dreg:$0x15];
	[sflag:s20] =	ssyncadd.s32 $0xFFFFCE00  }
0x8d: {  	[tilespmem:s15], [sflag:$0x1] =	stream.indirect.gather [hbm4b:s1+s14], $0x80, s5, s14, $0xb8;
	[tilespmem:$0x1F800] =	vst v63  }
0x8e: {  	_ =	swait.ge [sflag:s21], $0x3200  }
0x8f: {  	[sflag:s21] =	ssyncset.done $0x0  }
0x90: {  	s10 =	rddreg [dreg:$0x16];
	[sflag:s21] =	ssyncadd.s32 $0xFFFFCE00  }
0x91: {  	[spmem:s3] =	stream.indirect.scatter.add.f32 [tilespmem:s18], [sflag:$0x6], $0x80, s10, s14, $0xb8;
	[tilespmem:$0x1F800] =	vst v63  }
0x92: {  	_ =	swait.ge [sflag:s22], $0x3200  }
0x93: {  	[sflag:s22] =	ssyncset.done $0x0  }
0x94: {  	s11 =	rddreg [dreg:$0x17];
	[sflag:s22] =	ssyncadd.s32 $0xFFFFCE00  }
0x95: {  	[tilespmem:s16], [sflag:$0x2] =	stream.indirect.gather [hbm4b:s1+s14], $0x80, s11, s14, $0xb8;
	[tilespmem:$0x1F800] =	vst v63  }
0x96: {  	_ =	swait.ge [sflag:s17], $0x3200  }
0x97: {  	[sflag:s17] =	ssyncset.done $0x0  }
0x98: {  	s5 =	rddreg [dreg:$0x18];
	[sflag:s17] =	ssyncadd.s32 $0xFFFFCE00  }
0x99: {  	[spmem:s3] =	stream.indirect.scatter.add.f32 [tilespmem:s15], [sflag:$0x4], $0x80, s5, s14, $0xb8;
	[tilespmem:$0x1F800] =	vst v63  }
0x9a: {  	_ =	swait.ge [sflag:s23], $0x3200  }
0x9b: {  	[sflag:s23] =	ssyncset.done $0x0  }
0x9c: {  	s10 =	rddreg [dreg:$0x19];
	[sflag:s23] =	ssyncadd.s32 $0xFFFFCE00  }
0x9d: {  	[tilespmem:s18], [sflag:$0x3] =	stream.indirect.gather [hbm4b:s1+s14], $0x80, s10, s14, $0xb8;
	[tilespmem:$0x1F800] =	vst v63  }
0x9e: {  	_ =	swait.ge [sflag:s19], $0x3200  }
0x9f: {  	[sflag:s19] =	ssyncset.done $0x0  }
0xa0: {  	s11 =	rddreg [dreg:$0x1a];
	[sflag:s19] =	ssyncadd.s32 $0xFFFFCE00  }
0xa1: {  	[spmem:s3] =	stream.indirect.scatter.add.f32 [tilespmem:s16], [sflag:$0x5], $0x80, s11, s14, $0xb8;
	[tilespmem:$0x1F800] =	vst v63  }
0xa2: {  	_ =	swait.ge [sflag:s20], $0x3200  }
0xa3: {  	[sflag:s20] =	ssyncset.done $0x0  }
0xa4: {  	s5 =	rddreg [dreg:$0x1b];
	[sflag:s20] =	ssyncadd.s32 $0xFFFFCE00  }
0xa5: {  	[tilespmem:s15], [sflag:$0x1] =	stream.indirect.gather [hbm4b:s1+s14], $0x80, s5, s14, $0xb8;
	[tilespmem:$0x1F800] =	vst v63  }
0xa6: {  	_ =	swait.ge [sflag:s21], $0x3200  }
0xa7: {  	[sflag:s21] =	ssyncset.done $0x0  }
0xa8: {  	s10 =	rddreg [dreg:$0x1c];
	[sflag:s21] =	ssyncadd.s32 $0xFFFFCE00  }
0xa9: {  	[spmem:s3] =	stream.indirect.scatter.add.f32 [tilespmem:s18], [sflag:$0x6], $0x80, s10, s14, $0xb8;
	[tilespmem:$0x1F800] =	vst v63  }
0xaa: {  	_ =	swait.ge [sflag:s22], $0x3200  }
0xab: {  	[sflag:s22] =	ssyncset.done $0x0  }
0xac: {  	s11 =	rddreg [dreg:$0x1d];
	[sflag:s22] =	ssyncadd.s32 $0xFFFFCE00  }
0xad: {  	[tilespmem:s16], [sflag:$0x2] =	stream.indirect.gather [hbm4b:s1+s14], $0x80, s11, s14, $0xb8;
	[tilespmem:$0x1F800] =	vst v63  }
0xae: {  	_ =	swait.ge [sflag:s17], $0x3200  }
0xaf: {  	[sflag:s17] =	ssyncset.done $0x0  }
0xb0: {  	s5 =	rddreg [dreg:$0x1e];
	[sflag:s17] =	ssyncadd.s32 $0xFFFFCE00  }
0xb1: {  	[spmem:s3] =	stream.indirect.scatter.add.f32 [tilespmem:s15], [sflag:$0x4], $0x80, s5, s14, $0xb8;
	[tilespmem:$0x1F800] =	vst v63  }
0xb2: {  	_ =	swait.ge [sflag:s23], $0x3200  }
0xb3: {  	[sflag:s23] =	ssyncset.done $0x0  }
0xb4: {  	s10 =	rddreg [dreg:$0x1f];
	[sflag:s23] =	ssyncadd.s32 $0xFFFFCE00  }
0xb5: {  	[tilespmem:s18], [sflag:$0x3] =	stream.indirect.gather [hbm4b:s1+s14], $0x80, s10, s14, $0xb8;
	[tilespmem:$0x1F800] =	vst v63  }
0xb6: {  	_ =	swait.ge [sflag:s19], $0x3200  }
0xb7: {  	s11 =	sld [smem:$0x7F2]  }
0xb8: {  	[sflag:s19] =	ssyncset.done $0x0  }
0xb9: {  	[sflag:s19] =	ssyncadd.s32 $0xFFFFCE00  }
0xba: {  	[spmem:s3] =	stream.indirect.scatter.add.f32 [tilespmem:s16], [sflag:$0x5], $0x80, s11, s14, $0xb8;
	[tilespmem:$0x1F800] =	vst v63  }
0xbb: {  	_ =	swait.ge [sflag:s20], $0x3200  }
0xbc: {  	s5 =	sld [smem:$0x7F3]  }
0xbd: {  	[sflag:s20] =	ssyncset.done $0x0  }
0xbe: {  	[sflag:s20] =	ssyncadd.s32 $0xFFFFCE00  }
0xbf: {  	[tilespmem:s15], [sflag:$0x1] =	stream.indirect.gather [hbm4b:s1+s14], $0x80, s5, s14, $0xb8;
	[tilespmem:$0x1F800] =	vst v63  }
0xc0: {  	_ =	swait.ge [sflag:s21], $0x3200  }
0xc1: {  	s10 =	sld [smem:$0x7F4]  }
0xc2: {  	[sflag:s21] =	ssyncset.done $0x0  }
0xc3: {  	[sflag:s21] =	ssyncadd.s32 $0xFFFFCE00  }
0xc4: {  	[spmem:s3] =	stream.indirect.scatter.add.f32 [tilespmem:s18], [sflag:$0x6], $0x80, s10, s14, $0xb8;
	[tilespmem:$0x1F800] =	vst v63  }
0xc5: {  	_ =	swait.ge [sflag:s22], $0x3200  }
0xc6: {  	s11 =	sld [smem:$0x7F5]  }
0xc7: {  	[sflag:s22] =	ssyncset.done $0x0  }
0xc8: {  	[sflag:s22] =	ssyncadd.s32 $0xFFFFCE00  }
0xc9: {  	[tilespmem:s16], [sflag:$0x2] =	stream.indirect.gather [hbm4b:s1+s14], $0x80, s11, s14, $0xb8;
	[tilespmem:$0x1F800] =	vst v63  }
0xca: {  	_ =	swait.ge [sflag:s17], $0x3200  }
0xcb: {  	s5 =	sld [smem:$0x7F6]  }
0xcc: {  	[sflag:s17] =	ssyncset.done $0x0  }
0xcd: {  	[sflag:s17] =	ssyncadd.s32 $0xFFFFCE00  }
0xce: {  	[spmem:s3] =	stream.indirect.scatter.add.f32 [tilespmem:s15], [sflag:$0x4], $0x80, s5, s14, $0xb8;
	[tilespmem:$0x1F800] =	vst v63  }
0xcf: {  	_ =	swait.ge [sflag:s23], $0x3200  }
0xd0: {  	s10 =	sld [smem:$0x7F7]  }
0xd1: {  	[sflag:s23] =	ssyncset.done $0x0  }
0xd2: {  	[sflag:s23] =	ssyncadd.s32 $0xFFFFCE00  }
0xd3: {  	[tilespmem:s18], [sflag:$0x3] =	stream.indirect.gather [hbm4b:s1+s14], $0x80, s10, s14, $0xb8;
	[tilespmem:$0x1F800] =	vst v63  }
0xd4: {  	_ =	swait.ge [sflag:s19], $0x3200  }
0xd5: {  	s11 =	sld [smem:$0x7F8]  }
0xd6: {  	[sflag:s19] =	ssyncset.done $0x0  }
0xd7: {  	[sflag:s19] =	ssyncadd.s32 $0xFFFFCE00  }
0xd8: {  	[spmem:s3] =	stream.indirect.scatter.add.f32 [tilespmem:s16], [sflag:$0x5], $0x80, s11, s14, $0xb8;
	[tilespmem:$0x1F800] =	vst v63  }
0xd9: {  	_ =	swait.ge [sflag:s20], $0x3200  }
0xda: {  	s5 =	sld [smem:$0x7F9]  }
0xdb: {  	[sflag:s20] =	ssyncset.done $0x0  }
0xdc: {  	[sflag:s20] =	ssyncadd.s32 $0xFFFFCE00  }
0xdd: {  	[tilespmem:s15], [sflag:$0x1] =	stream.indirect.gather [hbm4b:s1+s14], $0x80, s5, s14, $0xb8;
	[tilespmem:$0x1F800] =	vst v63  }
0xde: {  	_ =	swait.ge [sflag:s21], $0x3200  }
0xdf: {  	s10 =	sld [smem:$0x7FA]  }
0xe0: {  	[sflag:s21] =	ssyncset.done $0x0  }
0xe1: {  	[sflag:s21] =	ssyncadd.s32 $0xFFFFCE00  }
0xe2: {  	[spmem:s3] =	stream.indirect.scatter.add.f32 [tilespmem:s18], [sflag:$0x6], $0x80, s10, s14, $0xb8;
	[tilespmem:$0x1F800] =	vst v63  }
0xe3: {  	_ =	swait.ge [sflag:s22], $0x3200  }
0xe4: {  	s11 =	sld [smem:$0x7FB]  }
0xe5: {  	[sflag:s22] =	ssyncset.done $0x0  }
0xe6: {  	[sflag:s22] =	ssyncadd.s32 $0xFFFFCE00  }
0xe7: {  	[tilespmem:s16], [sflag:$0x2] =	stream.indirect.gather [hbm4b:s1+s14], $0x80, s11, s14, $0xb8;
	[tilespmem:$0x1F800] =	vst v63  }
0xe8: {  	_ =	swait.ge [sflag:s17], $0x3200  }
0xe9: {  	[sflag:s17] =	ssyncset.done $0x0  }
0xea: {  	[sflag:s17] =	ssyncadd.s32 $0xFFFFCE00  }
0xeb: {  	[spmem:s3] =	stream.indirect.scatter.add.f32 [tilespmem:s15], [sflag:$0x4], $0x80, s24, s14, $0xb8;
	[tilespmem:$0x1F800] =	vst v63  }
0xec: {  	_ =	swait.ge [sflag:s23], $0x3200  }
0xed: {  	[sflag:s23] =	ssyncset.done $0x0  }
0xee: {  	[sflag:s23] =	ssyncadd.s32 $0xFFFFCE00  }
0xef: {  	[tilespmem:s18], [sflag:$0x3] =	stream.indirect.gather [hbm4b:s1+s14], $0x80, s25, s14, $0xb8;
	[tilespmem:$0x1F800] =	vst v63  }
0xf0: {  	_ =	swait.ge [sflag:s19], $0x3200  }
0xf1: {  	[sflag:s19] =	ssyncset.done $0x0  }
0xf2: {  	[sflag:s19] =	ssyncadd.s32 $0xFFFFCE00  }
0xf3: {  	[spmem:s3] =	stream.indirect.scatter.add.f32 [tilespmem:s16], [sflag:$0x5], $0x80, s26, s14, $0xb8;
	[tilespmem:$0x1F800] =	vst v63  }
0xf4: {  	_ =	swait.ge [sflag:s20], $0x3200  }
0xf5: {  	[sflag:s20] =	ssyncset.done $0x0  }
0xf6: {  	[sflag:s20] =	ssyncadd.s32 $0xFFFFCE00  }
0xf7: {  	[tilespmem:s15], [sflag:$0x1] =	stream.indirect.gather [hbm4b:s1+s14], $0x80, s28, s14, $0xb8;
	[tilespmem:$0x1F800] =	vst v63  }
0xf8: {  	_ =	swait.ge [sflag:s21], $0x3200  }
0xf9: {  	[sflag:s21] =	ssyncset.done $0x0  }
0xfa: {  	[sflag:s21] =	ssyncadd.s32 $0xFFFFCE00  }
0xfb: {  	[spmem:s3] =	stream.indirect.scatter.add.f32 [tilespmem:s18], [sflag:$0x6], $0x80, s29, s14, $0xb8;
	[tilespmem:$0x1F800] =	vst v63  }
0xfc: {  	_ =	swait.ge [sflag:s22], $0x3200  }
0xfd: {  	[sflag:s22] =	ssyncset.done $0x0  }
0xfe: {  	[sflag:s22] =	ssyncadd.s32 $0xFFFFCE00  }
0xff: {  	[tilespmem:s16], [sflag:$0x2] =	stream.indirect.gather [hbm4b:s1+s14], $0x80, s30, s14, $0xb8;
	[tilespmem:$0x1F800] =	vst v63  }
0x100: {  	_ =	swait.ge [sflag:s17], $0x3200  }
0x101: {  	[sflag:s17] =	ssyncset.done $0x0  }
0x102: {  	[sflag:s17] =	ssyncadd.s32 $0xFFFFCE00  }
0x103: {  	[spmem:s3] =	stream.indirect.scatter.add.f32 [tilespmem:s15], [sflag:$0x4], $0x80, s31, s14, $0xb8;
	[tilespmem:$0x1F800] =	vst v63  }
0x104: {  	_ =	swait.ge [sflag:s23], $0x3200  }
0x105: {  	[sflag:s23] =	ssyncset.done $0x0  }
0x106: {  	[sflag:s23] =	ssyncadd.s32 $0xFFFFCE00  }
0x107: {  	[tilespmem:s18], [sflag:$0x3] =	stream.indirect.gather [hbm4b:s1+s14], $0x80, s0, s14, $0xb8;
	[tilespmem:$0x1F800] =	vst v63  }
0x108: {  	_ =	swait.ge [sflag:s19], $0x3200  }
0x109: {  	[sflag:s19] =	ssyncset.done $0x0  }
0x10a: {  	[sflag:s19] =	ssyncadd.s32 $0xFFFFCE00  }
0x10b: {  	[spmem:s3] =	stream.indirect.scatter.add.f32 [tilespmem:s16], [sflag:$0x5], $0x80, s2, s14, $0xb8;
	[tilespmem:$0x1F800] =	vst v63  }
0x10c: {  	_ =	swait.ge [sflag:s20], $0x3200  }
0x10d: {  	[sflag:s20] =	ssyncset.done $0x0  }
0x10e: {  	[sflag:s20] =	ssyncadd.s32 $0xFFFFCE00  }
0x10f: {  	[tilespmem:s15], [sflag:$0x1] =	stream.indirect.gather [hbm4b:s1+s14], $0x80, s6, s14, $0xb8;
	[tilespmem:$0x1F800] =	vst v63  }
0x110: {  	_ =	swait.ge [sflag:s21], $0x3200  }
0x111: {  	[sflag:s21] =	ssyncset.done $0x0  }
0x112: {  	[sflag:s21] =	ssyncadd.s32 $0xFFFFCE00  }
0x113: {  	[spmem:s3] =	stream.indirect.scatter.add.f32 [tilespmem:s18], [sflag:$0x6], $0x80, s7, s14, $0xb8;
	[tilespmem:$0x1F800] =	vst v63  }
0x114: {  	_ =	swait.ge [sflag:s22], $0x3200  }
0x115: {  	[sflag:s22] =	ssyncset.done $0x0  }
0x116: {  	[sflag:s22] =	ssyncadd.s32 $0xFFFFCE00  }
0x117: {  	_ =	swait.ge [sflag:s17], $0x3200  }
0x118: {  	[sflag:s17] =	ssyncset.done $0x0  }
0x119: {  	[sflag:s17] =	ssyncadd.s32 $0xFFFFCE00  }
0x11a: {  	[spmem:s3] =	stream.indirect.scatter.add.f32 [tilespmem:s15], [sflag:$0x4], $0x80, s8, s14, $0xb8;
	[tilespmem:$0x1F800] =	vst v63  }
0x11b: {  	_ =	swait.ge [sflag:s23], $0x3200  }
0x11c: {  	[sflag:s23] =	ssyncset.done $0x0  }
0x11d: {  	[sflag:s23] =	ssyncadd.s32 $0xFFFFCE00  }
0x11e: {  	s9 =	simm.s32 $0x200;
	_ =	swait.ge [sflag:s20], $0x3200  }
0x11f: {  	s10 =	simm.s32 $0x400;
	s11 =	rddreg [dreg:$0x5];
	[sflag:s20] =	ssyncset.done $0x0  }
.LBB2_2:
0x120: {  	[sflag:s20] =	ssyncadd.s32 $0xFFFFCE00;
	s11 =	sadd.s32 s9, s11  }
0x121: {  	[tilespmem:s4], [sflag:$0x7] =	stream.linear.gather [hbm4b:s11+s4], $0xC80, $0x38;
	[tilespmem:$0x1F800] =	vst v63  }
0x122: {  	_ =	swait.ge [sflag:s12], $0xC80  }
0x123: {  	s11 =	rddreg [dreg:$0x4];
	[sflag:s12] =	ssyncset.done $0x0  }
0x124: {  	[sflag:s12] =	ssyncadd.s32 $0xFFFFF380;
	s11 =	sadd.s32 s9, s11  }
0x125: {  	[tilespmem:s13], [sflag:$0x7] =	stream.linear.gather [hbm4b:s11+s4], $0xC80, $0x38;
	[tilespmem:$0x1F800] =	vst v63  }
0x126: {  	_ =	swait.ge [sflag:s12], $0xC80  }
0x127: {  	[sflag:s12] =	ssyncset.done $0x0  }
0x128: {  	[sflag:s12] =	ssyncadd.s32 $0xFFFFF380  }
0x129: {  	[tilespmem:s15], [sflag:$0x1] =	stream.indirect.gather [hbm4b:s1+s14], $0x80, s4, s14, $0xb8;
	[tilespmem:$0x1F800] =	vst v63  }
0x12a: {  	s11 =	rddreg [dreg:$0x6]  }
0x12b: {  	[tilespmem:s16], [sflag:$0x2] =	stream.indirect.gather [hbm4b:s1+s14], $0x80, s11, s14, $0xb8;
	[tilespmem:$0x1F800] =	vst v63  }
0x12c: {  	_ =	swait.ge [sflag:s17], $0x3200  }
0x12d: {  	[sflag:s17] =	ssyncset.done $0x0  }
0x12e: {  	[sflag:s17] =	ssyncadd.s32 $0xFFFFCE00  }
0x12f: {  	[spmem:s3] =	stream.indirect.scatter.add.f32 [tilespmem:s15], [sflag:$0x4], $0x80, s13, s14, $0xb8;
	[tilespmem:$0x1F800] =	vst v63  }
0x130: {  	s11 =	rddreg [dreg:$0x7]  }
0x131: {  	[tilespmem:s18], [sflag:$0x3] =	stream.indirect.gather [hbm4b:s1+s14], $0x80, s11, s14, $0xb8;
	[tilespmem:$0x1F800] =	vst v63  }
0x132: {  	_ =	swait.ge [sflag:s19], $0x3200  }
0x133: {  	[sflag:s19] =	ssyncset.done $0x0  }
0x134: {  	s11 =	rddreg [dreg:$0x8];
	[sflag:s19] =	ssyncadd.s32 $0xFFFFCE00  }
0x135: {  	[spmem:s3] =	stream.indirect.scatter.add.f32 [tilespmem:s16], [sflag:$0x5], $0x80, s11, s14, $0xb8;
	[tilespmem:$0x1F800] =	vst v63  }
0x136: {  	_ =	swait.ge [sflag:s20], $0x3200  }
0x137: {  	[sflag:s20] =	ssyncset.done $0x0  }
0x138: {  	s11 =	rddreg [dreg:$0x9];
	[sflag:s20] =	ssyncadd.s32 $0xFFFFCE00  }
0x139: {  	[tilespmem:s15], [sflag:$0x1] =	stream.indirect.gather [hbm4b:s1+s14], $0x80, s11, s14, $0xb8;
	[tilespmem:$0x1F800] =	vst v63  }
0x13a: {  	_ =	swait.ge [sflag:s21], $0x3200  }
0x13b: {  	[sflag:s21] =	ssyncset.done $0x0  }
0x13c: {  	s11 =	rddreg [dreg:$0xa];
	[sflag:s21] =	ssyncadd.s32 $0xFFFFCE00  }
0x13d: {  	[spmem:s3] =	stream.indirect.scatter.add.f32 [tilespmem:s18], [sflag:$0x6], $0x80, s11, s14, $0xb8;
	[tilespmem:$0x1F800] =	vst v63  }
0x13e: {  	_ =	swait.ge [sflag:s22], $0x3200  }
0x13f: {  	[sflag:s22] =	ssyncset.done $0x0  }
0x140: {  	s11 =	rddreg [dreg:$0xb];
	[sflag:s22] =	ssyncadd.s32 $0xFFFFCE00  }
0x141: {  	[tilespmem:s16], [sflag:$0x2] =	stream.indirect.gather [hbm4b:s1+s14], $0x80, s11, s14, $0xb8;
	[tilespmem:$0x1F800] =	vst v63  }
0x142: {  	_ =	swait.ge [sflag:s17], $0x3200  }
0x143: {  	[sflag:s17] =	ssyncset.done $0x0  }
0x144: {  	s11 =	rddreg [dreg:$0xc];
	[sflag:s17] =	ssyncadd.s32 $0xFFFFCE00  }
0x145: {  	[spmem:s3] =	stream.indirect.scatter.add.f32 [tilespmem:s15], [sflag:$0x4], $0x80, s11, s14, $0xb8;
	[tilespmem:$0x1F800] =	vst v63  }
0x146: {  	_ =	swait.ge [sflag:s23], $0x3200  }
0x147: {  	[sflag:s23] =	ssyncset.done $0x0  }
0x148: {  	s11 =	rddreg [dreg:$0xd];
	[sflag:s23] =	ssyncadd.s32 $0xFFFFCE00  }
0x149: {  	[tilespmem:s18], [sflag:$0x3] =	stream.indirect.gather [hbm4b:s1+s14], $0x80, s11, s14, $0xb8;
	[tilespmem:$0x1F800] =	vst v63  }
0x14a: {  	_ =	swait.ge [sflag:s19], $0x3200  }
0x14b: {  	[sflag:s19] =	ssyncset.done $0x0  }
0x14c: {  	s11 =	rddreg [dreg:$0xe];
	[sflag:s19] =	ssyncadd.s32 $0xFFFFCE00  }
0x14d: {  	[spmem:s3] =	stream.indirect.scatter.add.f32 [tilespmem:s16], [sflag:$0x5], $0x80, s11, s14, $0xb8;
	[tilespmem:$0x1F800] =	vst v63  }
0x14e: {  	_ =	swait.ge [sflag:s20], $0x3200  }
0x14f: {  	[sflag:s20] =	ssyncset.done $0x0  }
0x150: {  	s11 =	rddreg [dreg:$0xf];
	[sflag:s20] =	ssyncadd.s32 $0xFFFFCE00  }
0x151: {  	[tilespmem:s15], [sflag:$0x1] =	stream.indirect.gather [hbm4b:s1+s14], $0x80, s11, s14, $0xb8;
	[tilespmem:$0x1F800] =	vst v63  }
0x152: {  	_ =	swait.ge [sflag:s21], $0x3200  }
0x153: {  	[sflag:s21] =	ssyncset.done $0x0  }
0x154: {  	s11 =	rddreg [dreg:$0x10];
	[sflag:s21] =	ssyncadd.s32 $0xFFFFCE00  }
0x155: {  	[spmem:s3] =	stream.indirect.scatter.add.f32 [tilespmem:s18], [sflag:$0x6], $0x80, s11, s14, $0xb8;
	[tilespmem:$0x1F800] =	vst v63  }
0x156: {  	_ =	swait.ge [sflag:s22], $0x3200  }
0x157: {  	[sflag:s22] =	ssyncset.done $0x0  }
0x158: {  	s11 =	rddreg [dreg:$0x11];
	[sflag:s22] =	ssyncadd.s32 $0xFFFFCE00  }
0x159: {  	[tilespmem:s16], [sflag:$0x2] =	stream.indirect.gather [hbm4b:s1+s14], $0x80, s11, s14, $0xb8;
	[tilespmem:$0x1F800] =	vst v63  }
0x15a: {  	_ =	swait.ge [sflag:s17], $0x3200  }
0x15b: {  	[sflag:s17] =	ssyncset.done $0x0  }
0x15c: {  	s11 =	rddreg [dreg:$0x12];
	[sflag:s17] =	ssyncadd.s32 $0xFFFFCE00  }
0x15d: {  	[spmem:s3] =	stream.indirect.scatter.add.f32 [tilespmem:s15], [sflag:$0x4], $0x80, s11, s14, $0xb8;
	[tilespmem:$0x1F800] =	vst v63  }
0x15e: {  	_ =	swait.ge [sflag:s23], $0x3200  }
0x15f: {  	[sflag:s23] =	ssyncset.done $0x0  }
0x160: {  	s11 =	rddreg [dreg:$0x13];
	[sflag:s23] =	ssyncadd.s32 $0xFFFFCE00  }
0x161: {  	[tilespmem:s18], [sflag:$0x3] =	stream.indirect.gather [hbm4b:s1+s14], $0x80, s11, s14, $0xb8;
	[tilespmem:$0x1F800] =	vst v63  }
0x162: {  	_ =	swait.ge [sflag:s19], $0x3200  }
0x163: {  	[sflag:s19] =	ssyncset.done $0x0  }
0x164: {  	s11 =	rddreg [dreg:$0x14];
	[sflag:s19] =	ssyncadd.s32 $0xFFFFCE00  }
0x165: {  	[spmem:s3] =	stream.indirect.scatter.add.f32 [tilespmem:s16], [sflag:$0x5], $0x80, s11, s14, $0xb8;
	[tilespmem:$0x1F800] =	vst v63  }
0x166: {  	_ =	swait.ge [sflag:s20], $0x3200  }
0x167: {  	[sflag:s20] =	ssyncset.done $0x0  }
0x168: {  	s11 =	rddreg [dreg:$0x15];
	[sflag:s20] =	ssyncadd.s32 $0xFFFFCE00  }
0x169: {  	[tilespmem:s15], [sflag:$0x1] =	stream.indirect.gather [hbm4b:s1+s14], $0x80, s11, s14, $0xb8;
	[tilespmem:$0x1F800] =	vst v63  }
0x16a: {  	_ =	swait.ge [sflag:s21], $0x3200  }
0x16b: {  	[sflag:s21] =	ssyncset.done $0x0  }
0x16c: {  	s11 =	rddreg [dreg:$0x16];
	[sflag:s21] =	ssyncadd.s32 $0xFFFFCE00  }
0x16d: {  	[spmem:s3] =	stream.indirect.scatter.add.f32 [tilespmem:s18], [sflag:$0x6], $0x80, s11, s14, $0xb8;
	[tilespmem:$0x1F800] =	vst v63  }
0x16e: {  	_ =	swait.ge [sflag:s22], $0x3200  }
0x16f: {  	[sflag:s22] =	ssyncset.done $0x0  }
0x170: {  	s11 =	rddreg [dreg:$0x17];
	[sflag:s22] =	ssyncadd.s32 $0xFFFFCE00  }
0x171: {  	[tilespmem:s16], [sflag:$0x2] =	stream.indirect.gather [hbm4b:s1+s14], $0x80, s11, s14, $0xb8;
	[tilespmem:$0x1F800] =	vst v63  }
0x172: {  	_ =	swait.ge [sflag:s17], $0x3200  }
0x173: {  	[sflag:s17] =	ssyncset.done $0x0  }
0x174: {  	s11 =	rddreg [dreg:$0x18];
	[sflag:s17] =	ssyncadd.s32 $0xFFFFCE00  }
0x175: {  	[spmem:s3] =	stream.indirect.scatter.add.f32 [tilespmem:s15], [sflag:$0x4], $0x80, s11, s14, $0xb8;
	[tilespmem:$0x1F800] =	vst v63  }
0x176: {  	_ =	swait.ge [sflag:s23], $0x3200  }
0x177: {  	[sflag:s23] =	ssyncset.done $0x0  }
0x178: {  	s11 =	rddreg [dreg:$0x19];
	[sflag:s23] =	ssyncadd.s32 $0xFFFFCE00  }
0x179: {  	[tilespmem:s18], [sflag:$0x3] =	stream.indirect.gather [hbm4b:s1+s14], $0x80, s11, s14, $0xb8;
	[tilespmem:$0x1F800] =	vst v63  }
0x17a: {  	_ =	swait.ge [sflag:s19], $0x3200  }
0x17b: {  	[sflag:s19] =	ssyncset.done $0x0  }
0x17c: {  	s11 =	rddreg [dreg:$0x1a];
	[sflag:s19] =	ssyncadd.s32 $0xFFFFCE00  }
0x17d: {  	[spmem:s3] =	stream.indirect.scatter.add.f32 [tilespmem:s16], [sflag:$0x5], $0x80, s11, s14, $0xb8;
	[tilespmem:$0x1F800] =	vst v63  }
0x17e: {  	_ =	swait.ge [sflag:s20], $0x3200  }
0x17f: {  	[sflag:s20] =	ssyncset.done $0x0  }
0x180: {  	s11 =	rddreg [dreg:$0x1b];
	[sflag:s20] =	ssyncadd.s32 $0xFFFFCE00  }
0x181: {  	[tilespmem:s15], [sflag:$0x1] =	stream.indirect.gather [hbm4b:s1+s14], $0x80, s11, s14, $0xb8;
	[tilespmem:$0x1F800] =	vst v63  }
0x182: {  	_ =	swait.ge [sflag:s21], $0x3200  }
0x183: {  	[sflag:s21] =	ssyncset.done $0x0  }
0x184: {  	s11 =	rddreg [dreg:$0x1c];
	[sflag:s21] =	ssyncadd.s32 $0xFFFFCE00  }
0x185: {  	[spmem:s3] =	stream.indirect.scatter.add.f32 [tilespmem:s18], [sflag:$0x6], $0x80, s11, s14, $0xb8;
	[tilespmem:$0x1F800] =	vst v63  }
0x186: {  	_ =	swait.ge [sflag:s22], $0x3200  }
0x187: {  	[sflag:s22] =	ssyncset.done $0x0  }
0x188: {  	s11 =	rddreg [dreg:$0x1d];
	[sflag:s22] =	ssyncadd.s32 $0xFFFFCE00  }
0x189: {  	[tilespmem:s16], [sflag:$0x2] =	stream.indirect.gather [hbm4b:s1+s14], $0x80, s11, s14, $0xb8;
	[tilespmem:$0x1F800] =	vst v63  }
0x18a: {  	_ =	swait.ge [sflag:s17], $0x3200  }
0x18b: {  	[sflag:s17] =	ssyncset.done $0x0  }
0x18c: {  	s11 =	rddreg [dreg:$0x1e];
	[sflag:s17] =	ssyncadd.s32 $0xFFFFCE00  }
0x18d: {  	[spmem:s3] =	stream.indirect.scatter.add.f32 [tilespmem:s15], [sflag:$0x4], $0x80, s11, s14, $0xb8;
	[tilespmem:$0x1F800] =	vst v63  }
0x18e: {  	_ =	swait.ge [sflag:s23], $0x3200  }
0x18f: {  	[sflag:s23] =	ssyncset.done $0x0  }
0x190: {  	s11 =	rddreg [dreg:$0x1f];
	[sflag:s23] =	ssyncadd.s32 $0xFFFFCE00  }
0x191: {  	[tilespmem:s18], [sflag:$0x3] =	stream.indirect.gather [hbm4b:s1+s14], $0x80, s11, s14, $0xb8;
	[tilespmem:$0x1F800] =	vst v63  }
0x192: {  	_ =	swait.ge [sflag:s19], $0x3200  }
0x193: {  	s11 =	sld [smem:$0x7F2]  }
0x194: {  	[sflag:s19] =	ssyncset.done $0x0  }
0x195: {  	[sflag:s19] =	ssyncadd.s32 $0xFFFFCE00  }
0x196: {  	[spmem:s3] =	stream.indirect.scatter.add.f32 [tilespmem:s16], [sflag:$0x5], $0x80, s11, s14, $0xb8;
	[tilespmem:$0x1F800] =	vst v63  }
0x197: {  	_ =	swait.ge [sflag:s20], $0x3200  }
0x198: {  	s11 =	sld [smem:$0x7F3]  }
0x199: {  	[sflag:s20] =	ssyncset.done $0x0  }
0x19a: {  	[sflag:s20] =	ssyncadd.s32 $0xFFFFCE00  }
0x19b: {  	[tilespmem:s15], [sflag:$0x1] =	stream.indirect.gather [hbm4b:s1+s14], $0x80, s11, s14, $0xb8;
	[tilespmem:$0x1F800] =	vst v63  }
0x19c: {  	_ =	swait.ge [sflag:s21], $0x3200  }
0x19d: {  	s11 =	sld [smem:$0x7F4]  }
0x19e: {  	[sflag:s21] =	ssyncset.done $0x0  }
0x19f: {  	[sflag:s21] =	ssyncadd.s32 $0xFFFFCE00  }
0x1a0: {  	[spmem:s3] =	stream.indirect.scatter.add.f32 [tilespmem:s18], [sflag:$0x6], $0x80, s11, s14, $0xb8;
	[tilespmem:$0x1F800] =	vst v63  }
0x1a1: {  	_ =	swait.ge [sflag:s22], $0x3200  }
0x1a2: {  	s11 =	sld [smem:$0x7F5]  }
0x1a3: {  	[sflag:s22] =	ssyncset.done $0x0  }
0x1a4: {  	[sflag:s22] =	ssyncadd.s32 $0xFFFFCE00  }
0x1a5: {  	[tilespmem:s16], [sflag:$0x2] =	stream.indirect.gather [hbm4b:s1+s14], $0x80, s11, s14, $0xb8;
	[tilespmem:$0x1F800] =	vst v63  }
0x1a6: {  	_ =	swait.ge [sflag:s17], $0x3200  }
0x1a7: {  	s11 =	sld [smem:$0x7F6]  }
0x1a8: {  	[sflag:s17] =	ssyncset.done $0x0  }
0x1a9: {  	[sflag:s17] =	ssyncadd.s32 $0xFFFFCE00  }
0x1aa: {  	[spmem:s3] =	stream.indirect.scatter.add.f32 [tilespmem:s15], [sflag:$0x4], $0x80, s11, s14, $0xb8;
	[tilespmem:$0x1F800] =	vst v63  }
0x1ab: {  	_ =	swait.ge [sflag:s23], $0x3200  }
0x1ac: {  	s11 =	sld [smem:$0x7F7]  }
0x1ad: {  	[sflag:s23] =	ssyncset.done $0x0  }
0x1ae: {  	[sflag:s23] =	ssyncadd.s32 $0xFFFFCE00  }
0x1af: {  	[tilespmem:s18], [sflag:$0x3] =	stream.indirect.gather [hbm4b:s1+s14], $0x80, s11, s14, $0xb8;
	[tilespmem:$0x1F800] =	vst v63  }
0x1b0: {  	_ =	swait.ge [sflag:s19], $0x3200  }
0x1b1: {  	s11 =	sld [smem:$0x7F8]  }
0x1b2: {  	[sflag:s19] =	ssyncset.done $0x0  }
0x1b3: {  	[sflag:s19] =	ssyncadd.s32 $0xFFFFCE00  }
0x1b4: {  	[spmem:s3] =	stream.indirect.scatter.add.f32 [tilespmem:s16], [sflag:$0x5], $0x80, s11, s14, $0xb8;
	[tilespmem:$0x1F800] =	vst v63  }
0x1b5: {  	_ =	swait.ge [sflag:s20], $0x3200  }
0x1b6: {  	s11 =	sld [smem:$0x7F9]  }
0x1b7: {  	[sflag:s20] =	ssyncset.done $0x0  }
0x1b8: {  	[sflag:s20] =	ssyncadd.s32 $0xFFFFCE00  }
0x1b9: {  	[tilespmem:s15], [sflag:$0x1] =	stream.indirect.gather [hbm4b:s1+s14], $0x80, s11, s14, $0xb8;
	[tilespmem:$0x1F800] =	vst v63  }
0x1ba: {  	_ =	swait.ge [sflag:s21], $0x3200  }
0x1bb: {  	s11 =	sld [smem:$0x7FA]  }
0x1bc: {  	[sflag:s21] =	ssyncset.done $0x0  }
0x1bd: {  	[sflag:s21] =	ssyncadd.s32 $0xFFFFCE00  }
0x1be: {  	[spmem:s3] =	stream.indirect.scatter.add.f32 [tilespmem:s18], [sflag:$0x6], $0x80, s11, s14, $0xb8;
	[tilespmem:$0x1F800] =	vst v63  }
0x1bf: {  	_ =	swait.ge [sflag:s22], $0x3200  }
0x1c0: {  	s11 =	sld [smem:$0x7FB]  }
0x1c1: {  	[sflag:s22] =	ssyncset.done $0x0  }
0x1c2: {  	[sflag:s22] =	ssyncadd.s32 $0xFFFFCE00  }
0x1c3: {  	[tilespmem:s16], [sflag:$0x2] =	stream.indirect.gather [hbm4b:s1+s14], $0x80, s11, s14, $0xb8;
	[tilespmem:$0x1F800] =	vst v63  }
0x1c4: {  	_ =	swait.ge [sflag:s17], $0x3200  }
0x1c5: {  	[sflag:s17] =	ssyncset.done $0x0  }
0x1c6: {  	[sflag:s17] =	ssyncadd.s32 $0xFFFFCE00  }
0x1c7: {  	[spmem:s3] =	stream.indirect.scatter.add.f32 [tilespmem:s15], [sflag:$0x4], $0x80, s24, s14, $0xb8;
	[tilespmem:$0x1F800] =	vst v63  }
0x1c8: {  	_ =	swait.ge [sflag:s23], $0x3200  }
0x1c9: {  	[sflag:s23] =	ssyncset.done $0x0  }
0x1ca: {  	[sflag:s23] =	ssyncadd.s32 $0xFFFFCE00  }
0x1cb: {  	[tilespmem:s18], [sflag:$0x3] =	stream.indirect.gather [hbm4b:s1+s14], $0x80, s25, s14, $0xb8;
	[tilespmem:$0x1F800] =	vst v63  }
0x1cc: {  	_ =	swait.ge [sflag:s19], $0x3200  }
0x1cd: {  	[sflag:s19] =	ssyncset.done $0x0  }
0x1ce: {  	[sflag:s19] =	ssyncadd.s32 $0xFFFFCE00  }
0x1cf: {  	[spmem:s3] =	stream.indirect.scatter.add.f32 [tilespmem:s16], [sflag:$0x5], $0x80, s26, s14, $0xb8;
	[tilespmem:$0x1F800] =	vst v63  }
0x1d0: {  	_ =	swait.ge [sflag:s20], $0x3200  }
0x1d1: {  	[sflag:s20] =	ssyncset.done $0x0  }
0x1d2: {  	[sflag:s20] =	ssyncadd.s32 $0xFFFFCE00  }
0x1d3: {  	[tilespmem:s15], [sflag:$0x1] =	stream.indirect.gather [hbm4b:s1+s14], $0x80, s28, s14, $0xb8;
	[tilespmem:$0x1F800] =	vst v63  }
0x1d4: {  	_ =	swait.ge [sflag:s21], $0x3200  }
0x1d5: {  	[sflag:s21] =	ssyncset.done $0x0  }
0x1d6: {  	[sflag:s21] =	ssyncadd.s32 $0xFFFFCE00  }
0x1d7: {  	[spmem:s3] =	stream.indirect.scatter.add.f32 [tilespmem:s18], [sflag:$0x6], $0x80, s29, s14, $0xb8;
	[tilespmem:$0x1F800] =	vst v63  }
0x1d8: {  	_ =	swait.ge [sflag:s22], $0x3200  }
0x1d9: {  	[sflag:s22] =	ssyncset.done $0x0  }
0x1da: {  	[sflag:s22] =	ssyncadd.s32 $0xFFFFCE00  }
0x1db: {  	[tilespmem:s16], [sflag:$0x2] =	stream.indirect.gather [hbm4b:s1+s14], $0x80, s30, s14, $0xb8;
	[tilespmem:$0x1F800] =	vst v63  }
0x1dc: {  	_ =	swait.ge [sflag:s17], $0x3200  }
0x1dd: {  	[sflag:s17] =	ssyncset.done $0x0  }
0x1de: {  	[sflag:s17] =	ssyncadd.s32 $0xFFFFCE00  }
0x1df: {  	[spmem:s3] =	stream.indirect.scatter.add.f32 [tilespmem:s15], [sflag:$0x4], $0x80, s31, s14, $0xb8;
	[tilespmem:$0x1F800] =	vst v63  }
0x1e0: {  	_ =	swait.ge [sflag:s23], $0x3200  }
0x1e1: {  	[sflag:s23] =	ssyncset.done $0x0  }
0x1e2: {  	[sflag:s23] =	ssyncadd.s32 $0xFFFFCE00  }
0x1e3: {  	[tilespmem:s18], [sflag:$0x3] =	stream.indirect.gather [hbm4b:s1+s14], $0x80, s0, s14, $0xb8;
	[tilespmem:$0x1F800] =	vst v63  }
0x1e4: {  	_ =	swait.ge [sflag:s19], $0x3200  }
0x1e5: {  	[sflag:s19] =	ssyncset.done $0x0  }
0x1e6: {  	[sflag:s19] =	ssyncadd.s32 $0xFFFFCE00  }
0x1e7: {  	[spmem:s3] =	stream.indirect.scatter.add.f32 [tilespmem:s16], [sflag:$0x5], $0x80, s2, s14, $0xb8;
	[tilespmem:$0x1F800] =	vst v63  }
0x1e8: {  	_ =	swait.ge [sflag:s20], $0x3200  }
0x1e9: {  	[sflag:s20] =	ssyncset.done $0x0  }
0x1ea: {  	[sflag:s20] =	ssyncadd.s32 $0xFFFFCE00  }
0x1eb: {  	[tilespmem:s15], [sflag:$0x1] =	stream.indirect.gather [hbm4b:s1+s14], $0x80, s6, s14, $0xb8;
	[tilespmem:$0x1F800] =	vst v63  }
0x1ec: {  	_ =	swait.ge [sflag:s21], $0x3200  }
0x1ed: {  	[sflag:s21] =	ssyncset.done $0x0  }
0x1ee: {  	[sflag:s21] =	ssyncadd.s32 $0xFFFFCE00  }
0x1ef: {  	[spmem:s3] =	stream.indirect.scatter.add.f32 [tilespmem:s18], [sflag:$0x6], $0x80, s7, s14, $0xb8;
	[tilespmem:$0x1F800] =	vst v63  }
0x1f0: {  	_ =	swait.ge [sflag:s22], $0x3200  }
0x1f1: {  	[sflag:s22] =	ssyncset.done $0x0  }
0x1f2: {  	[sflag:s22] =	ssyncadd.s32 $0xFFFFCE00  }
0x1f3: {  	_ =	swait.ge [sflag:s17], $0x3200  }
0x1f4: {  	[sflag:s17] =	ssyncset.done $0x0  }
0x1f5: {  	p1 =	sne.s32 s10, $0x600;
	[sflag:s17] =	ssyncadd.s32 $0xFFFFCE00  }
0x1f6: {  	[spmem:s3] =	stream.indirect.scatter.add.f32 [tilespmem:s15], [sflag:$0x4], $0x80, s8, s14, $0xb8;
	[tilespmem:$0x1F800] =	vst v63  }
.Ltmp0:
0x1f7: {  	_ =	swait.ge [sflag:s23], $0x3200;
	(pc) =	sbr.rel @p1 .LBB2_2-.Ltmp0, $4  }
0x1f8: {  	[sflag:s23] =	ssyncset.done $0x0  }
0x1f9: {  	[sflag:s23] =	ssyncadd.s32 $0xFFFFCE00  }
0x1fa: {  	s5 =	smov.u32 s10;
	s10 =	sadd.s32 $0x200, s10;
	_ =	swait.ge [sflag:s20], $0x3200  }
0x1fb: {  	s9 =	smov.u32 s5;
	s11 =	rddreg [dreg:$0x5];
	[sflag:s20] =	ssyncset.done $0x0  }
0x1fc: {  	[sflag:s20] =	ssyncadd.s32 $0xFFFFCE00;
	s5 =	sadd.s32 s9, s11  }
0x1fd: {  	[tilespmem:s4], [sflag:$0x7] =	stream.linear.gather [hbm4b:s5+s4], $0xC80, $0x38;
	[tilespmem:$0x1F800] =	vst v63  }
0x1fe: {  	_ =	swait.ge [sflag:s12], $0xC80  }
0x1ff: {  	s11 =	rddreg [dreg:$0x4];
	[sflag:s12] =	ssyncset.done $0x0  }
0x200: {  	s5 =	sadd.s32 s9, s11;
	[sflag:s12] =	ssyncadd.s32 $0xFFFFF380  }
0x201: {  	[tilespmem:s13], [sflag:$0x7] =	stream.linear.gather [hbm4b:s5+s4], $0xC80, $0x38;
	[tilespmem:$0x1F800] =	vst v63  }
0x202: {  	_ =	swait.ge [sflag:s12], $0xC80  }
0x203: {  	[sflag:s12] =	ssyncset.done $0x0  }
0x204: {  	[sflag:s12] =	ssyncadd.s32 $0xFFFFF380  }
0x205: {  	[tilespmem:s15], [sflag:$0x1] =	stream.indirect.gather [hbm4b:s1+s14], $0x80, s4, s14, $0xb8;
	[tilespmem:$0x1F800] =	vst v63  }
0x206: {  	s9 =	rddreg [dreg:$0x6]  }
0x207: {  	[tilespmem:s16], [sflag:$0x2] =	stream.indirect.gather [hbm4b:s1+s14], $0x80, s9, s14, $0xb8;
	[tilespmem:$0x1F800] =	vst v63  }
0x208: {  	_ =	swait.ge [sflag:s17], $0x3200  }
0x209: {  	[sflag:s17] =	ssyncset.done $0x0  }
0x20a: {  	[sflag:s17] =	ssyncadd.s32 $0xFFFFCE00  }
0x20b: {  	[spmem:s3] =	stream.indirect.scatter.add.f32 [tilespmem:s15], [sflag:$0x4], $0x80, s13, s14, $0xb8;
	[tilespmem:$0x1F800] =	vst v63  }
0x20c: {  	s10 =	rddreg [dreg:$0x7]  }
0x20d: {  	[tilespmem:s18], [sflag:$0x3] =	stream.indirect.gather [hbm4b:s1+s14], $0x80, s10, s14, $0xb8;
	[tilespmem:$0x1F800] =	vst v63  }
0x20e: {  	_ =	swait.ge [sflag:s19], $0x3200  }
0x20f: {  	[sflag:s19] =	ssyncset.done $0x0  }
0x210: {  	s11 =	rddreg [dreg:$0x8];
	[sflag:s19] =	ssyncadd.s32 $0xFFFFCE00  }
0x211: {  	[spmem:s3] =	stream.indirect.scatter.add.f32 [tilespmem:s16], [sflag:$0x5], $0x80, s11, s14, $0xb8;
	[tilespmem:$0x1F800] =	vst v63  }
0x212: {  	_ =	swait.ge [sflag:s20], $0x3200  }
0x213: {  	[sflag:s20] =	ssyncset.done $0x0  }
0x214: {  	s9 =	rddreg [dreg:$0x9];
	[sflag:s20] =	ssyncadd.s32 $0xFFFFCE00  }
0x215: {  	[tilespmem:s15], [sflag:$0x1] =	stream.indirect.gather [hbm4b:s1+s14], $0x80, s9, s14, $0xb8;
	[tilespmem:$0x1F800] =	vst v63  }
0x216: {  	_ =	swait.ge [sflag:s21], $0x3200  }
0x217: {  	[sflag:s21] =	ssyncset.done $0x0  }
0x218: {  	s10 =	rddreg [dreg:$0xa];
	[sflag:s21] =	ssyncadd.s32 $0xFFFFCE00  }
0x219: {  	[spmem:s3] =	stream.indirect.scatter.add.f32 [tilespmem:s18], [sflag:$0x6], $0x80, s10, s14, $0xb8;
	[tilespmem:$0x1F800] =	vst v63  }
0x21a: {  	_ =	swait.ge [sflag:s22], $0x3200  }
0x21b: {  	[sflag:s22] =	ssyncset.done $0x0  }
0x21c: {  	s11 =	rddreg [dreg:$0xb];
	[sflag:s22] =	ssyncadd.s32 $0xFFFFCE00  }
0x21d: {  	[tilespmem:s16], [sflag:$0x2] =	stream.indirect.gather [hbm4b:s1+s14], $0x80, s11, s14, $0xb8;
	[tilespmem:$0x1F800] =	vst v63  }
0x21e: {  	_ =	swait.ge [sflag:s17], $0x3200  }
0x21f: {  	[sflag:s17] =	ssyncset.done $0x0  }
0x220: {  	s9 =	rddreg [dreg:$0xc];
	[sflag:s17] =	ssyncadd.s32 $0xFFFFCE00  }
0x221: {  	[spmem:s3] =	stream.indirect.scatter.add.f32 [tilespmem:s15], [sflag:$0x4], $0x80, s9, s14, $0xb8;
	[tilespmem:$0x1F800] =	vst v63  }
0x222: {  	_ =	swait.ge [sflag:s23], $0x3200  }
0x223: {  	[sflag:s23] =	ssyncset.done $0x0  }
0x224: {  	s10 =	rddreg [dreg:$0xd];
	[sflag:s23] =	ssyncadd.s32 $0xFFFFCE00  }
0x225: {  	[tilespmem:s18], [sflag:$0x3] =	stream.indirect.gather [hbm4b:s1+s14], $0x80, s10, s14, $0xb8;
	[tilespmem:$0x1F800] =	vst v63  }
0x226: {  	_ =	swait.ge [sflag:s19], $0x3200  }
0x227: {  	[sflag:s19] =	ssyncset.done $0x0  }
0x228: {  	s11 =	rddreg [dreg:$0xe];
	[sflag:s19] =	ssyncadd.s32 $0xFFFFCE00  }
0x229: {  	[spmem:s3] =	stream.indirect.scatter.add.f32 [tilespmem:s16], [sflag:$0x5], $0x80, s11, s14, $0xb8;
	[tilespmem:$0x1F800] =	vst v63  }
0x22a: {  	_ =	swait.ge [sflag:s20], $0x3200  }
0x22b: {  	[sflag:s20] =	ssyncset.done $0x0  }
0x22c: {  	s9 =	rddreg [dreg:$0xf];
	[sflag:s20] =	ssyncadd.s32 $0xFFFFCE00  }
0x22d: {  	[tilespmem:s15], [sflag:$0x1] =	stream.indirect.gather [hbm4b:s1+s14], $0x80, s9, s14, $0xb8;
	[tilespmem:$0x1F800] =	vst v63  }
0x22e: {  	_ =	swait.ge [sflag:s21], $0x3200  }
0x22f: {  	[sflag:s21] =	ssyncset.done $0x0  }
0x230: {  	s10 =	rddreg [dreg:$0x10];
	[sflag:s21] =	ssyncadd.s32 $0xFFFFCE00  }
0x231: {  	[spmem:s3] =	stream.indirect.scatter.add.f32 [tilespmem:s18], [sflag:$0x6], $0x80, s10, s14, $0xb8;
	[tilespmem:$0x1F800] =	vst v63  }
0x232: {  	_ =	swait.ge [sflag:s22], $0x3200  }
0x233: {  	[sflag:s22] =	ssyncset.done $0x0  }
0x234: {  	s11 =	rddreg [dreg:$0x11];
	[sflag:s22] =	ssyncadd.s32 $0xFFFFCE00  }
0x235: {  	[tilespmem:s16], [sflag:$0x2] =	stream.indirect.gather [hbm4b:s1+s14], $0x80, s11, s14, $0xb8;
	[tilespmem:$0x1F800] =	vst v63  }
0x236: {  	_ =	swait.ge [sflag:s17], $0x3200  }
0x237: {  	[sflag:s17] =	ssyncset.done $0x0  }
0x238: {  	s9 =	rddreg [dreg:$0x12];
	[sflag:s17] =	ssyncadd.s32 $0xFFFFCE00  }
0x239: {  	[spmem:s3] =	stream.indirect.scatter.add.f32 [tilespmem:s15], [sflag:$0x4], $0x80, s9, s14, $0xb8;
	[tilespmem:$0x1F800] =	vst v63  }
0x23a: {  	_ =	swait.ge [sflag:s23], $0x3200  }
0x23b: {  	[sflag:s23] =	ssyncset.done $0x0  }
0x23c: {  	s10 =	rddreg [dreg:$0x13];
	[sflag:s23] =	ssyncadd.s32 $0xFFFFCE00  }
0x23d: {  	[tilespmem:s18], [sflag:$0x3] =	stream.indirect.gather [hbm4b:s1+s14], $0x80, s10, s14, $0xb8;
	[tilespmem:$0x1F800] =	vst v63  }
0x23e: {  	_ =	swait.ge [sflag:s19], $0x3200  }
0x23f: {  	[sflag:s19] =	ssyncset.done $0x0  }
0x240: {  	s11 =	rddreg [dreg:$0x14];
	[sflag:s19] =	ssyncadd.s32 $0xFFFFCE00  }
0x241: {  	[spmem:s3] =	stream.indirect.scatter.add.f32 [tilespmem:s16], [sflag:$0x5], $0x80, s11, s14, $0xb8;
	[tilespmem:$0x1F800] =	vst v63  }
0x242: {  	_ =	swait.ge [sflag:s20], $0x3200  }
0x243: {  	[sflag:s20] =	ssyncset.done $0x0  }
0x244: {  	s9 =	rddreg [dreg:$0x15];
	[sflag:s20] =	ssyncadd.s32 $0xFFFFCE00  }
0x245: {  	[tilespmem:s15], [sflag:$0x1] =	stream.indirect.gather [hbm4b:s1+s14], $0x80, s9, s14, $0xb8;
	[tilespmem:$0x1F800] =	vst v63  }
0x246: {  	_ =	swait.ge [sflag:s21], $0x3200  }
0x247: {  	[sflag:s21] =	ssyncset.done $0x0  }
0x248: {  	s10 =	rddreg [dreg:$0x16];
	[sflag:s21] =	ssyncadd.s32 $0xFFFFCE00  }
0x249: {  	[spmem:s3] =	stream.indirect.scatter.add.f32 [tilespmem:s18], [sflag:$0x6], $0x80, s10, s14, $0xb8;
	[tilespmem:$0x1F800] =	vst v63  }
0x24a: {  	_ =	swait.ge [sflag:s22], $0x3200  }
0x24b: {  	[sflag:s22] =	ssyncset.done $0x0  }
0x24c: {  	s11 =	rddreg [dreg:$0x17];
	[sflag:s22] =	ssyncadd.s32 $0xFFFFCE00  }
0x24d: {  	[tilespmem:s16], [sflag:$0x2] =	stream.indirect.gather [hbm4b:s1+s14], $0x80, s11, s14, $0xb8;
	[tilespmem:$0x1F800] =	vst v63  }
0x24e: {  	_ =	swait.ge [sflag:s17], $0x3200  }
0x24f: {  	[sflag:s17] =	ssyncset.done $0x0  }
0x250: {  	s9 =	rddreg [dreg:$0x18];
	[sflag:s17] =	ssyncadd.s32 $0xFFFFCE00  }
0x251: {  	[spmem:s3] =	stream.indirect.scatter.add.f32 [tilespmem:s15], [sflag:$0x4], $0x80, s9, s14, $0xb8;
	[tilespmem:$0x1F800] =	vst v63  }
0x252: {  	_ =	swait.ge [sflag:s23], $0x3200  }
0x253: {  	[sflag:s23] =	ssyncset.done $0x0  }
0x254: {  	s10 =	rddreg [dreg:$0x19];
	[sflag:s23] =	ssyncadd.s32 $0xFFFFCE00  }
0x255: {  	[tilespmem:s18], [sflag:$0x3] =	stream.indirect.gather [hbm4b:s1+s14], $0x80, s10, s14, $0xb8;
	[tilespmem:$0x1F800] =	vst v63  }
0x256: {  	_ =	swait.ge [sflag:s19], $0x3200  }
0x257: {  	[sflag:s19] =	ssyncset.done $0x0  }
0x258: {  	s11 =	rddreg [dreg:$0x1a];
	[sflag:s19] =	ssyncadd.s32 $0xFFFFCE00  }
0x259: {  	[spmem:s3] =	stream.indirect.scatter.add.f32 [tilespmem:s16], [sflag:$0x5], $0x80, s11, s14, $0xb8;
	[tilespmem:$0x1F800] =	vst v63  }
0x25a: {  	_ =	swait.ge [sflag:s20], $0x3200  }
0x25b: {  	[sflag:s20] =	ssyncset.done $0x0  }
0x25c: {  	s9 =	rddreg [dreg:$0x1b];
	[sflag:s20] =	ssyncadd.s32 $0xFFFFCE00  }
0x25d: {  	[tilespmem:s15], [sflag:$0x1] =	stream.indirect.gather [hbm4b:s1+s14], $0x80, s9, s14, $0xb8;
	[tilespmem:$0x1F800] =	vst v63  }
0x25e: {  	_ =	swait.ge [sflag:s21], $0x3200  }
0x25f: {  	[sflag:s21] =	ssyncset.done $0x0  }
0x260: {  	s10 =	rddreg [dreg:$0x1c];
	[sflag:s21] =	ssyncadd.s32 $0xFFFFCE00  }
0x261: {  	[spmem:s3] =	stream.indirect.scatter.add.f32 [tilespmem:s18], [sflag:$0x6], $0x80, s10, s14, $0xb8;
	[tilespmem:$0x1F800] =	vst v63  }
0x262: {  	_ =	swait.ge [sflag:s22], $0x3200  }
0x263: {  	[sflag:s22] =	ssyncset.done $0x0  }
0x264: {  	s11 =	rddreg [dreg:$0x1d];
	[sflag:s22] =	ssyncadd.s32 $0xFFFFCE00  }
0x265: {  	[tilespmem:s16], [sflag:$0x2] =	stream.indirect.gather [hbm4b:s1+s14], $0x80, s11, s14, $0xb8;
	[tilespmem:$0x1F800] =	vst v63  }
0x266: {  	_ =	swait.ge [sflag:s17], $0x3200  }
0x267: {  	[sflag:s17] =	ssyncset.done $0x0  }
0x268: {  	s9 =	rddreg [dreg:$0x1e];
	[sflag:s17] =	ssyncadd.s32 $0xFFFFCE00  }
0x269: {  	[spmem:s3] =	stream.indirect.scatter.add.f32 [tilespmem:s15], [sflag:$0x4], $0x80, s9, s14, $0xb8;
	[tilespmem:$0x1F800] =	vst v63  }
0x26a: {  	_ =	swait.ge [sflag:s23], $0x3200  }
0x26b: {  	[sflag:s23] =	ssyncset.done $0x0  }
0x26c: {  	s10 =	rddreg [dreg:$0x1f];
	[sflag:s23] =	ssyncadd.s32 $0xFFFFCE00  }
0x26d: {  	[tilespmem:s18], [sflag:$0x3] =	stream.indirect.gather [hbm4b:s1+s14], $0x80, s10, s14, $0xb8;
	[tilespmem:$0x1F800] =	vst v63  }
0x26e: {  	_ =	swait.ge [sflag:s19], $0x3200  }
0x26f: {  	s11 =	sld [smem:$0x7F2]  }
0x270: {  	[sflag:s19] =	ssyncset.done $0x0  }
0x271: {  	[sflag:s19] =	ssyncadd.s32 $0xFFFFCE00  }
0x272: {  	[spmem:s3] =	stream.indirect.scatter.add.f32 [tilespmem:s16], [sflag:$0x5], $0x80, s11, s14, $0xb8;
	[tilespmem:$0x1F800] =	vst v63  }
0x273: {  	_ =	swait.ge [sflag:s20], $0x3200  }
0x274: {  	s9 =	sld [smem:$0x7F3]  }
0x275: {  	[sflag:s20] =	ssyncset.done $0x0  }
0x276: {  	[sflag:s20] =	ssyncadd.s32 $0xFFFFCE00  }
0x277: {  	[tilespmem:s15], [sflag:$0x1] =	stream.indirect.gather [hbm4b:s1+s14], $0x80, s9, s14, $0xb8;
	[tilespmem:$0x1F800] =	vst v63  }
0x278: {  	_ =	swait.ge [sflag:s21], $0x3200  }
0x279: {  	s10 =	sld [smem:$0x7F4]  }
0x27a: {  	[sflag:s21] =	ssyncset.done $0x0  }
0x27b: {  	[sflag:s21] =	ssyncadd.s32 $0xFFFFCE00  }
0x27c: {  	[spmem:s3] =	stream.indirect.scatter.add.f32 [tilespmem:s18], [sflag:$0x6], $0x80, s10, s14, $0xb8;
	[tilespmem:$0x1F800] =	vst v63  }
0x27d: {  	_ =	swait.ge [sflag:s22], $0x3200  }
0x27e: {  	s11 =	sld [smem:$0x7F5]  }
0x27f: {  	[sflag:s22] =	ssyncset.done $0x0  }
0x280: {  	[sflag:s22] =	ssyncadd.s32 $0xFFFFCE00  }
0x281: {  	[tilespmem:s16], [sflag:$0x2] =	stream.indirect.gather [hbm4b:s1+s14], $0x80, s11, s14, $0xb8;
	[tilespmem:$0x1F800] =	vst v63  }
0x282: {  	_ =	swait.ge [sflag:s17], $0x3200  }
0x283: {  	s9 =	sld [smem:$0x7F6]  }
0x284: {  	[sflag:s17] =	ssyncset.done $0x0  }
0x285: {  	[sflag:s17] =	ssyncadd.s32 $0xFFFFCE00  }
0x286: {  	[spmem:s3] =	stream.indirect.scatter.add.f32 [tilespmem:s15], [sflag:$0x4], $0x80, s9, s14, $0xb8;
	[tilespmem:$0x1F800] =	vst v63  }
0x287: {  	_ =	swait.ge [sflag:s23], $0x3200  }
0x288: {  	s10 =	sld [smem:$0x7F7]  }
0x289: {  	[sflag:s23] =	ssyncset.done $0x0  }
0x28a: {  	[sflag:s23] =	ssyncadd.s32 $0xFFFFCE00  }
0x28b: {  	[tilespmem:s18], [sflag:$0x3] =	stream.indirect.gather [hbm4b:s1+s14], $0x80, s10, s14, $0xb8;
	[tilespmem:$0x1F800] =	vst v63  }
0x28c: {  	_ =	swait.ge [sflag:s19], $0x3200  }
0x28d: {  	s11 =	sld [smem:$0x7F8]  }
0x28e: {  	[sflag:s19] =	ssyncset.done $0x0  }
0x28f: {  	[sflag:s19] =	ssyncadd.s32 $0xFFFFCE00  }
0x290: {  	[spmem:s3] =	stream.indirect.scatter.add.f32 [tilespmem:s16], [sflag:$0x5], $0x80, s11, s14, $0xb8;
	[tilespmem:$0x1F800] =	vst v63  }
0x291: {  	_ =	swait.ge [sflag:s20], $0x3200  }
0x292: {  	s9 =	sld [smem:$0x7F9]  }
0x293: {  	[sflag:s20] =	ssyncset.done $0x0  }
0x294: {  	[sflag:s20] =	ssyncadd.s32 $0xFFFFCE00  }
0x295: {  	[tilespmem:s15], [sflag:$0x1] =	stream.indirect.gather [hbm4b:s1+s14], $0x80, s9, s14, $0xb8;
	[tilespmem:$0x1F800] =	vst v63  }
0x296: {  	_ =	swait.ge [sflag:s21], $0x3200  }
0x297: {  	s10 =	sld [smem:$0x7FA]  }
0x298: {  	[sflag:s21] =	ssyncset.done $0x0  }
0x299: {  	[sflag:s21] =	ssyncadd.s32 $0xFFFFCE00  }
0x29a: {  	[spmem:s3] =	stream.indirect.scatter.add.f32 [tilespmem:s18], [sflag:$0x6], $0x80, s10, s14, $0xb8;
	[tilespmem:$0x1F800] =	vst v63  }
0x29b: {  	_ =	swait.ge [sflag:s22], $0x3200  }
0x29c: {  	s11 =	sld [smem:$0x7FB]  }
0x29d: {  	[sflag:s22] =	ssyncset.done $0x0  }
0x29e: {  	[sflag:s22] =	ssyncadd.s32 $0xFFFFCE00  }
0x29f: {  	[tilespmem:s16], [sflag:$0x2] =	stream.indirect.gather [hbm4b:s1+s14], $0x80, s11, s14, $0xb8;
	[tilespmem:$0x1F800] =	vst v63  }
0x2a0: {  	_ =	swait.ge [sflag:s17], $0x3200  }
0x2a1: {  	[sflag:s17] =	ssyncset.done $0x0  }
0x2a2: {  	[sflag:s17] =	ssyncadd.s32 $0xFFFFCE00  }
0x2a3: {  	[spmem:s3] =	stream.indirect.scatter.add.f32 [tilespmem:s15], [sflag:$0x4], $0x80, s24, s14, $0xb8;
	[tilespmem:$0x1F800] =	vst v63  }
0x2a4: {  	_ =	swait.ge [sflag:s23], $0x3200  }
0x2a5: {  	[sflag:s23] =	ssyncset.done $0x0  }
0x2a6: {  	[sflag:s23] =	ssyncadd.s32 $0xFFFFCE00  }
0x2a7: {  	[tilespmem:s18], [sflag:$0x3] =	stream.indirect.gather [hbm4b:s1+s14], $0x80, s25, s14, $0xb8;
	[tilespmem:$0x1F800] =	vst v63  }
0x2a8: {  	_ =	swait.ge [sflag:s19], $0x3200  }
0x2a9: {  	[sflag:s19] =	ssyncset.done $0x0  }
0x2aa: {  	[sflag:s19] =	ssyncadd.s32 $0xFFFFCE00  }
0x2ab: {  	[spmem:s3] =	stream.indirect.scatter.add.f32 [tilespmem:s16], [sflag:$0x5], $0x80, s26, s14, $0xb8;
	[tilespmem:$0x1F800] =	vst v63  }
0x2ac: {  	_ =	swait.ge [sflag:s20], $0x3200  }
0x2ad: {  	[sflag:s20] =	ssyncset.done $0x0  }
0x2ae: {  	[sflag:s20] =	ssyncadd.s32 $0xFFFFCE00  }
0x2af: {  	[tilespmem:s15], [sflag:$0x1] =	stream.indirect.gather [hbm4b:s1+s14], $0x80, s28, s14, $0xb8;
	[tilespmem:$0x1F800] =	vst v63  }
0x2b0: {  	_ =	swait.ge [sflag:s21], $0x3200  }
0x2b1: {  	[sflag:s21] =	ssyncset.done $0x0  }
0x2b2: {  	[sflag:s21] =	ssyncadd.s32 $0xFFFFCE00  }
0x2b3: {  	[spmem:s3] =	stream.indirect.scatter.add.f32 [tilespmem:s18], [sflag:$0x6], $0x80, s29, s14, $0xb8;
	[tilespmem:$0x1F800] =	vst v63  }
0x2b4: {  	_ =	swait.ge [sflag:s22], $0x3200  }
0x2b5: {  	[sflag:s22] =	ssyncset.done $0x0  }
0x2b6: {  	[sflag:s22] =	ssyncadd.s32 $0xFFFFCE00  }
0x2b7: {  	[tilespmem:s16], [sflag:$0x2] =	stream.indirect.gather [hbm4b:s1+s14], $0x80, s30, s14, $0xb8;
	[tilespmem:$0x1F800] =	vst v63  }
0x2b8: {  	_ =	swait.ge [sflag:s17], $0x3200  }
0x2b9: {  	[sflag:s17] =	ssyncset.done $0x0  }
0x2ba: {  	[sflag:s17] =	ssyncadd.s32 $0xFFFFCE00  }
0x2bb: {  	[spmem:s3] =	stream.indirect.scatter.add.f32 [tilespmem:s15], [sflag:$0x4], $0x80, s31, s14, $0xb8;
	[tilespmem:$0x1F800] =	vst v63  }
0x2bc: {  	_ =	swait.ge [sflag:s23], $0x3200  }
0x2bd: {  	[sflag:s23] =	ssyncset.done $0x0  }
0x2be: {  	[sflag:s23] =	ssyncadd.s32 $0xFFFFCE00  }
0x2bf: {  	[tilespmem:s18], [sflag:$0x3] =	stream.indirect.gather [hbm4b:s1+s14], $0x80, s0, s14, $0xb8;
	[tilespmem:$0x1F800] =	vst v63  }
0x2c0: {  	_ =	swait.ge [sflag:s19], $0x3200  }
0x2c1: {  	[sflag:s19] =	ssyncset.done $0x0  }
0x2c2: {  	[sflag:s19] =	ssyncadd.s32 $0xFFFFCE00  }
0x2c3: {  	[spmem:s3] =	stream.indirect.scatter.add.f32 [tilespmem:s16], [sflag:$0x5], $0x80, s2, s14, $0xb8;
	[tilespmem:$0x1F800] =	vst v63  }
0x2c4: {  	_ =	swait.ge [sflag:s20], $0x3200  }
0x2c5: {  	[sflag:s20] =	ssyncset.done $0x0  }
0x2c6: {  	[sflag:s20] =	ssyncadd.s32 $0xFFFFCE00  }
0x2c7: {  	[tilespmem:s15], [sflag:$0x1] =	stream.indirect.gather [hbm4b:s1+s14], $0x80, s6, s14, $0xb8;
	[tilespmem:$0x1F800] =	vst v63  }
0x2c8: {  	_ =	swait.ge [sflag:s21], $0x3200  }
0x2c9: {  	[sflag:s21] =	ssyncset.done $0x0  }
0x2ca: {  	[sflag:s21] =	ssyncadd.s32 $0xFFFFCE00  }
0x2cb: {  	[spmem:s3] =	stream.indirect.scatter.add.f32 [tilespmem:s18], [sflag:$0x6], $0x80, s7, s14, $0xb8;
	[tilespmem:$0x1F800] =	vst v63  }
0x2cc: {  	_ =	swait.ge [sflag:s22], $0x3200  }
0x2cd: {  	[sflag:s22] =	ssyncset.done $0x0  }
0x2ce: {  	[sflag:s22] =	ssyncadd.s32 $0xFFFFCE00  }
0x2cf: {  	_ =	swait.ge [sflag:s17], $0x3200  }
0x2d0: {  	[sflag:s17] =	ssyncset.done $0x0  }
0x2d1: {  	[sflag:s17] =	ssyncadd.s32 $0xFFFFCE00  }
0x2d2: {  	[spmem:s3] =	stream.indirect.scatter.add.f32 [tilespmem:s15], [sflag:$0x4], $0x80, s8, s14, $0xb8;
	[tilespmem:$0x1F800] =	vst v63  }
0x2d3: {  	_ =	swait.ge [sflag:s23], $0x3200  }
0x2d4: {  	[sflag:s23] =	ssyncset.done $0x0  }
0x2d5: {  	[sflag:s23] =	ssyncadd.s32 $0xFFFFCE00  }
0x2d6: {  	_ =	swait.ge [sflag:s20], $0x3200  }
0x2d7: {  	[sflag:s20] =	ssyncset.done $0x0  }
0x2d8: {  	[sflag:s20] =	ssyncadd.s32 $0xFFFFCE00  }
0x2d9: {  	[bflag:$0x0] =	sbarrier.arrive $0xFFFF  }
0x2da: {  	s9 =	sld [smem:$0x7EE]  }
0x2db: {  	s10 =	sld [smem:$0x7F0];
	_ =	sdelay $0x1  }
0x2dc: {  	s5 =	simm.s32 @p0 $0x1FC7  }
0x2dd: {  	[hbm:s9], [sflag:s5] =	dma.local @p0 [spmem:s10], $0x2080  }
0x2de: {  	s5 =	simm.s32 @p0 $0x7  }
0x2df: {  	_ =	swait.ge @p0 [sflag:s5], $0x2080  }
0x2e0: {  	s9 =	sld [smem:$0x7F1]  }
0x2e1: {  	[sflag:s5] =	ssyncset.done @p0 $0x0;
	s11 =	sld [smem:$0x7FD]  }
0x2e2: {  	[sflag:s5] =	ssyncadd.s32 @p0 $0xFFFFDF80;
	s5 =	sld [smem:$0x7ED];
	_ =	sdelay $0x2  }
0x2e3: {  	[hbm:s5], [sflag:s9] =	dma.local @!p0 [spmem:s11], $0x2780  }
0x2e4: {  	s5 =	simm.s32 @!p0 $0x7  }
0x2e5: {  	_ =	swait.ge @!p0 [sflag:s5], $0x2780  }
0x2e6: {  	s9 =	sld [smem:$0x7FC];
	_ =	sdelay $0x2  }
0x2e7: {  	s10 =	sadd.s32 $0x1, s9;
	s9 =	sld [smem:$0x7EF];
	_ =	sdelay $0x2  }
0x2e8: {  	p1 =	sne.s32 s10, s9  }
.Ltmp1:
0x2e9: {  	_ = 	snop;
	(pc) =	sbr.rel @p1 .LBB2_1-.Ltmp1, $3  }
0x2ea: {  	_ =	sdelay $0x1  }
0x2eb: {  	[sflag:s5] =	ssyncset.done @!p0 $0x0  }
0x2ec: {  	[sflag:s5] =	ssyncadd.s32 @!p0 $0xFFFFD880;
	[smem:$0x7FC] =	sst s10  }
0x2ed: {  	_ =	sfence.sel $0x180000  }
0x2ee: {  	[bflag:$0x0] =	sbarrier.arrive $0xFFFF  }
0x2ef: {  	_ =	strace $0x9000004A  }
0x2f0: {  	s0 =	stileid.u32;
	[bflag:$0x2] =	sbarrier.arrive $0xFFFF  }
0x2f1: {  	p0 =	sne.s32 s0, $0x0;
	s0 =	rddreg [dreg:$0x3]  }
0x2f2: {  	s0 =	sadd.s32 @!p0 $0x100000, s0  }
0x2f3: {  	[sflag:s0] =	ssyncadd.tile.s32 @!p0 $0x1;
	_ =	shalt  }
.Lfunc_end2:
_tile_overlayer_lowered:
.L_overlay_start_2:
0x2f4: {  	(tag) =	ssettag $0x2  }
0x2f5: {  	s0 =	rddreg [dreg:$0x0];
	s2 =	stileid.u32  }
0x2f6: {  	s1 =	rddreg [dreg:$0x1];
	p0 =	sne.s32 s2, $0x0  }
0x2f7: {  	s3 =	rddreg [dreg:$0x2];
	[bflag:$0x3] =	sbarrier.arrive $0xFFFF;
	s2 =	simm.s32 @!p0 $0x1C07  }
0x2f8: {  	[timem:s3], [sflag:s2] =	dma.local @!p0 [hbm:s0], s1  }
0x2f9: {  	s0 =	simm.s32 @!p0 $0x7  }
0x2fa: {  	_ =	swait.ge @!p0 [sflag:s0], s1  }
0x2fb: {  	s1 =	ssub.s32 @!p0 $0x0, s1;
	[sflag:s0] =	ssyncset.done @!p0 $0x0  }
0x2fc: {  	[sflag:s0] =	ssyncadd.s32 @!p0 s1  }
0x2fd: {  	[bflag:$0x3] =	sbarrier.arrive $0xFFFF  }
0x2fe: {  	_ =	shalt  }

</sc_bundles>
